<compile_context>
chip_gen: v7x
topology: tpu7x:2x2x1
jax: 0.10.2.dev20260603
libtpu: 0.0.44.dev20260713+nightly
codegen_flags: <defaults>
</compile_context>

<pallas_src>
import functools

import jax
import jax.numpy as jnp
from jax import lax
from jax.experimental import pallas as pl
from jax.experimental.pallas import tpu as pltpu
from jax.experimental.pallas import tpu_sc as plsc

B = 16384
D = 128
H1, H2, H3 = 1024, 512, 256

NC, NS = 2, 16
NW = NC * NS
CHUNK = 128

BT = 4096
CHUNKS = (8192, 8192)


def _gather_sc(x_u, x_i, u_emb, i_emb, nb):
    bpw = nb // NW
    nch = -(-bpw // CHUNK)
    assert bpw % nch == 0
    chunk = bpw // nch
    mesh = plsc.VectorSubcoreMesh(core_axis_name="c", subcore_axis_name="s")

    @functools.partial(
        pl.kernel,
        mesh=mesh,
        out_type=(
            jax.ShapeDtypeStruct((nb, D), jnp.float32),
            jax.ShapeDtypeStruct((nb, D), jnp.float32),
        ),
        scratch_types=[
            pltpu.VMEM((bpw,), jnp.int32),
            pltpu.VMEM((bpw, D), jnp.float32),
            pltpu.SemaphoreType.DMA,
        ],
        compiler_params=pltpu.CompilerParams(use_tc_tiling_on_sc=True),
    )
    def gk(xu_hbm, xi_hbm, ue_hbm, ie_hbm, hu_hbm, hi_hbm, idx_v, rows_v, sem):
        wid = lax.axis_index("s") * NC + lax.axis_index("c")
        base = wid * bpw
        for idx_hbm, tbl_hbm, out_hbm in (
            (xu_hbm, ue_hbm, hu_hbm),
            (xi_hbm, ie_hbm, hi_hbm),
        ):
            pltpu.sync_copy(idx_hbm.at[pl.ds(base, bpw)], idx_v)
            copies = []
            for j in range(nch):
                copies.append(pltpu.async_copy(
                    tbl_hbm.at[idx_v.at[pl.ds(j * chunk, chunk)]],
                    rows_v.at[pl.ds(j * chunk, chunk)],
                    sem,
                ))
            for c in copies:
                c.wait()
            pltpu.sync_copy(rows_v, out_hbm.at[pl.ds(base, bpw)])

    return gk(x_u, x_i, u_emb, i_emb)


def _mlp_body(hu, hi, w1, b1, w2, b2, w3, b3, wo, bo, out):
    h = jnp.concatenate([hu[...], hi[...]], axis=1)
    h1 = jnp.maximum(
        jnp.dot(h, w1[...], preferred_element_type=jnp.float32) + b1[...], 0.0)
    h2 = jnp.maximum(
        jnp.dot(h1, w2[...], preferred_element_type=jnp.float32) + b2[...], 0.0)
    h3 = jnp.maximum(
        jnp.dot(h2, w3[...], preferred_element_type=jnp.float32) + b3[...], 0.0)
    out[...] = jnp.dot(h3, wo[...], preferred_element_type=jnp.float32) + bo[...]


def _mlp_body_alias(hu, hi, w1, b1, w2, b2, w3, b3, wo, bo, prev, out):
    del prev
    _mlp_body(hu, hi, w1, b1, w2, b2, w3, b3, wo, bo, out)


def _mlp_tc(hu, hi, W1, b1, W2, b2, W3, b3, Wo, bo, off, prev):
    nb = hu.shape[0]
    off_b = off // BT
    full = lambda *shape: pl.BlockSpec(shape, lambda i: (0,) * len(shape))
    ins = [hu, hi, W1, b1, W2, b2, W3, b3, Wo, bo]
    in_specs = [
        pl.BlockSpec((BT, D), lambda i: (i, 0)),
        pl.BlockSpec((BT, D), lambda i: (i, 0)),
        full(2 * D, H1),
        full(H1),
        full(H1, H2),
        full(H2),
        full(H2, H3),
        full(H3),
        full(H3, 1),
        full(1),
    ]
    kwargs = {}
    body = _mlp_body
    if prev is not None:
        ins.append(prev)
        in_specs.append(pl.BlockSpec(memory_space=pl.ANY))
        kwargs["input_output_aliases"] = {10: 0}
        body = _mlp_body_alias
    return pl.pallas_call(
        body,
        grid=(nb // BT,),
        in_specs=in_specs,
        out_specs=pl.BlockSpec((BT, 1), lambda i: (i + off_b, 0)),
        out_shape=jax.ShapeDtypeStruct((B, 1), jnp.float32),
        **kwargs,
    )(*ins)


def kernel(x_u, x_i, u_emb, i_emb, W1, b1, W2, b2, W3, b3, Wo, bo):
    x_u = x_u.astype(jnp.int32)
    x_i = x_i.astype(jnp.int32)
    out = None
    off = 0
    for nb in CHUNKS:
        sl = slice(off, off + nb)
        hu, hi = _gather_sc(x_u[sl], x_i[sl], u_emb, i_emb, nb)
        out = _mlp_tc(hu, hi, W1, b1, W2, b2, W3, b3, Wo, bo, off, out)
        off += nb
    return out

# --- scband reference (transcript-rebuilt; emitter-appended) ---
"""Pipeline reference for scband-ncf-45200235823217 (READ-ONLY COPY).

The authoritative reference and input builder live on the scoring server;
editing this copy changes nothing except your own understanding.
"""

import jax, jax.numpy as jnp
import numpy as np

N_USER = 100000
N_ITEM = 100000
D = 128
B = 16384
H1, H2, H3 = 1024, 512, 256
OUT = 1

def _xavier(k, shape):
    fan_in, fan_out = shape[0], shape[1]
    limit = float(np.sqrt(6.0 / (fan_in + fan_out)))
    return jax.random.uniform(k, shape, jnp.float32, -limit, limit)

def setup_inputs(seed: int = 0) -> dict:
    key = jax.random.key(seed)
    ks = jax.random.split(key, 12)
    return {
        "x_u": jax.random.randint(ks[0], (B,), 0, N_USER),
        "x_i": jax.random.randint(ks[1], (B,), 0, N_ITEM),
        "u_emb": _xavier(ks[2], (N_USER, D)),
        "i_emb": _xavier(ks[3], (N_ITEM, D)),
        "W1": _xavier(ks[4], (2 * D, H1)),
        "b1": jnp.zeros((H1,), jnp.float32),
        "W2": _xavier(ks[5], (H1, H2)),
        "b2": jnp.zeros((H2,), jnp.float32),
        "W3": _xavier(ks[6], (H2, H3)),
        "b3": jnp.zeros((H3,), jnp.float32),
        "Wo": _xavier(ks[7], (H3, OUT)),
        "bo": jnp.zeros((OUT,), jnp.float32),
    }

def reference(x_u, x_i, u_emb, i_emb, W1, b1, W2, b2, W3, b3, Wo, bo):
    # NCF 'mlp' variant: embedding lookups, concat, 3-layer MLP with relu, linear head.
    h_u = jnp.take(u_emb, x_u, axis=0)  # [B, D]
    h_i = jnp.take(i_emb, x_i, axis=0)  # [B, D]
    h = jnp.concatenate([h_u, h_i], axis=-1)  # [B, 2D]
    h = jax.nn.relu(h @ W1 + b1)
    h = jax.nn.relu(h @ W2 + b2)
    h = jax.nn.relu(h @ W3 + b3)
    logits = h @ Wo + bo  # [B, 1]
    return logits

if __name__ == "__main__":
    import jax
    _d = setup_inputs()
    print(jax.jit(kernel)(*tuple(_d.values())))

</pallas_src>

<mosaic_0001>
#map = affine_map<(d0, d1) -> (0)>
#map1 = affine_map<(d0, d1) -> (0, 0)>
module attributes {stable_mosaic.version = 14 : i64} {
  func.func @gk(%arg0: i32, %arg1: i32, %arg2: memref<8192xi32, #tpu.memory_space<hbm>>, %arg3: memref<8192xi32, #tpu.memory_space<hbm>>, %arg4: memref<100000x128xf32, #tpu.memory_space<hbm>>, %arg5: memref<100000x128xf32, #tpu.memory_space<hbm>>, %arg6: memref<8192x128xf32, #tpu.memory_space<hbm>>, %arg7: memref<8192x128xf32, #tpu.memory_space<hbm>>, %arg8: memref<256xi32, #tpu.memory_space<vmem>>, %arg9: memref<256x128xf32, #tpu.memory_space<vmem>>, %arg10: memref<!tpu.dma_semaphore, #tpu.memory_space<semaphore_mem>>) attributes {dimension_semantics = [#tpu.dimension_semantics<core_parallel>, #tpu.dimension_semantics<subcore_parallel>], iteration_bounds = array<i64: 2, 16>, scalar_prefetch = 0 : i64, scratch_operands = 3 : i64, tpu.core_type = #tpu.core_type<sc_vector_subcore>, window_params = [{transform_indices = #map}, {transform_indices = #map}, {transform_indices = #map1}, {transform_indices = #map1}, {transform_indices = #map1}, {transform_indices = #map1}]} {
    %mul3A = arith.constant 2 : i32
    %mul3A_0 = arith.muli %arg1, %mul3A : i32
    %add3A = arith.addi %mul3A_0, %arg0 : i32
    %mul3A_1 = arith.constant 256 : i32
    %mul3A_2 = arith.muli %add3A, %mul3A_1 : i32
    "tpu.region"() ({
      %run_scoped3A = tpu.sem_alloc : memref<!tpu.dma_semaphore, #tpu.memory_space<semaphore_mem>>
      %dma_start3A_65 = tpu.memref_slice %arg2[%mul3A_2] : memref<8192xi32, #tpu.memory_space<hbm>> -> memref<256xi32, #tpu.memory_space<hbm>>
      %dma_start3A_66 = tpu.memref_slice %arg2[%mul3A_2] : memref<8192xi32, #tpu.memory_space<hbm>> -> memref<256xi32, #tpu.memory_space<hbm>>
      tpu.enqueue_dma source(%dma_start3A_66 : memref<256xi32, #tpu.memory_space<hbm>>) target(%arg8 : memref<256xi32, #tpu.memory_space<vmem>>) target_semaphore(%run_scoped3A : memref<!tpu.dma_semaphore, #tpu.memory_space<semaphore_mem>>)
      %dma_wait3A_67 = tpu.memref_slice %arg2[%mul3A_2] : memref<8192xi32, #tpu.memory_space<hbm>> -> memref<256xi32, #tpu.memory_space<hbm>>
      %dma_wait3A_68 = tpu.memref_slice %arg2[%mul3A_2] : memref<8192xi32, #tpu.memory_space<hbm>> -> memref<256xi32, #tpu.memory_space<hbm>>
      tpu.wait_dma2 semaphore(%run_scoped3A : memref<!tpu.dma_semaphore, #tpu.memory_space<semaphore_mem>>) src(%dma_wait3A_68 : memref<256xi32, #tpu.memory_space<hbm>>) dst(%arg8 : memref<256xi32, #tpu.memory_space<vmem>>)
      tpu.yield
    }) : () -> ()
    %dma_start3A = arith.constant 0 : i32
    %dma_start3A_3 = arith.constant 0 : i32
    %dma_start3A_4 = tpu.memref_slice %arg9[%dma_start3A, %dma_start3A_3] : memref<256x128xf32, #tpu.memory_space<vmem>> -> memref<128x128xf32, #tpu.memory_space<vmem>>
    %dma_start3A_5 = arith.constant 0 : i32
    %dma_start3A_6 = tpu.memref_slice %arg8[%dma_start3A_5] : memref<256xi32, #tpu.memory_space<vmem>> -> memref<128xi32, #tpu.memory_space<vmem>>
    %dma_start3A_7 = arith.constant 0 : i32
    %dma_start3A_8 = arith.constant 0 : i32
    %dma_start3A_9 = tpu.memref_slice %arg4[%dma_start3A_7, %dma_start3A_8] : memref<100000x128xf32, #tpu.memory_space<hbm>> -> memref<100000x128xf32, #tpu.memory_space<hbm>>
    tpu.enqueue_indirect_dma source(%dma_start3A_9 : memref<100000x128xf32, #tpu.memory_space<hbm>>) target(%dma_start3A_4 : memref<128x128xf32, #tpu.memory_space<vmem>>) offsets(%dma_start3A_6 : memref<128xi32, #tpu.memory_space<vmem>>) semaphore(%arg10 : memref<!tpu.dma_semaphore, #tpu.memory_space<semaphore_mem>>)
    %dma_start3A_10 = arith.constant 128 : i32
    %dma_start3A_11 = arith.constant 0 : i32
    %dma_start3A_12 = tpu.memref_slice %arg9[%dma_start3A_10, %dma_start3A_11] : memref<256x128xf32, #tpu.memory_space<vmem>> -> memref<128x128xf32, #tpu.memory_space<vmem>>
    %dma_start3A_13 = arith.constant 128 : i32
    %dma_start3A_14 = tpu.memref_slice %arg8[%dma_start3A_13] : memref<256xi32, #tpu.memory_space<vmem>> -> memref<128xi32, #tpu.memory_space<vmem>>
    %dma_start3A_15 = arith.constant 0 : i32
    %dma_start3A_16 = arith.constant 0 : i32
    %dma_start3A_17 = tpu.memref_slice %arg4[%dma_start3A_15, %dma_start3A_16] : memref<100000x128xf32, #tpu.memory_space<hbm>> -> memref<100000x128xf32, #tpu.memory_space<hbm>>
    tpu.enqueue_indirect_dma source(%dma_start3A_17 : memref<100000x128xf32, #tpu.memory_space<hbm>>) target(%dma_start3A_12 : memref<128x128xf32, #tpu.memory_space<vmem>>) offsets(%dma_start3A_14 : memref<128xi32, #tpu.memory_space<vmem>>) semaphore(%arg10 : memref<!tpu.dma_semaphore, #tpu.memory_space<semaphore_mem>>)
    %dma_wait3A = arith.constant 0 : i32
    %dma_wait3A_18 = arith.constant 0 : i32
    %dma_wait3A_19 = tpu.memref_slice %arg9[%dma_wait3A, %dma_wait3A_18] : memref<256x128xf32, #tpu.memory_space<vmem>> -> memref<128x128xf32, #tpu.memory_space<vmem>>
    %dma_wait3A_20 = arith.constant 0 : i32
    %dma_wait3A_21 = tpu.memref_slice %arg8[%dma_wait3A_20] : memref<256xi32, #tpu.memory_space<vmem>> -> memref<128xi32, #tpu.memory_space<vmem>>
    %dma_wait3A_22 = arith.constant 0 : i32
    %dma_wait3A_23 = arith.constant 0 : i32
    %dma_wait3A_24 = tpu.memref_slice %arg4[%dma_wait3A_22, %dma_wait3A_23] : memref<100000x128xf32, #tpu.memory_space<hbm>> -> memref<100000x128xf32, #tpu.memory_space<hbm>>
    tpu.wait_indirect_dma semaphore(%arg10 : memref<!tpu.dma_semaphore, #tpu.memory_space<semaphore_mem>>) src(%dma_wait3A_24 : memref<100000x128xf32, #tpu.memory_space<hbm>>) dst(%dma_wait3A_19 : memref<128x128xf32, #tpu.memory_space<vmem>>)
    %dma_wait3A_25 = arith.constant 128 : i32
    %dma_wait3A_26 = arith.constant 0 : i32
    %dma_wait3A_27 = tpu.memref_slice %arg9[%dma_wait3A_25, %dma_wait3A_26] : memref<256x128xf32, #tpu.memory_space<vmem>> -> memref<128x128xf32, #tpu.memory_space<vmem>>
    %dma_wait3A_28 = arith.constant 128 : i32
    %dma_wait3A_29 = tpu.memref_slice %arg8[%dma_wait3A_28] : memref<256xi32, #tpu.memory_space<vmem>> -> memref<128xi32, #tpu.memory_space<vmem>>
    %dma_wait3A_30 = arith.constant 0 : i32
    %dma_wait3A_31 = arith.constant 0 : i32
    %dma_wait3A_32 = tpu.memref_slice %arg4[%dma_wait3A_30, %dma_wait3A_31] : memref<100000x128xf32, #tpu.memory_space<hbm>> -> memref<100000x128xf32, #tpu.memory_space<hbm>>
    tpu.wait_indirect_dma semaphore(%arg10 : memref<!tpu.dma_semaphore, #tpu.memory_space<semaphore_mem>>) src(%dma_wait3A_32 : memref<100000x128xf32, #tpu.memory_space<hbm>>) dst(%dma_wait3A_27 : memref<128x128xf32, #tpu.memory_space<vmem>>)
    "tpu.region"() ({
      %run_scoped3A = tpu.sem_alloc : memref<!tpu.dma_semaphore, #tpu.memory_space<semaphore_mem>>
      %dma_start3A_65 = arith.constant 0 : i32
      %dma_start3A_66 = tpu.memref_slice %arg6[%mul3A_2, %dma_start3A_65] : memref<8192x128xf32, #tpu.memory_space<hbm>> -> memref<256x128xf32, #tpu.memory_space<hbm>>
      %dma_start3A_67 = arith.constant 0 : i32
      %dma_start3A_68 = tpu.memref_slice %arg6[%mul3A_2, %dma_start3A_67] : memref<8192x128xf32, #tpu.memory_space<hbm>> -> memref<256x128xf32, #tpu.memory_space<hbm>>
      tpu.enqueue_dma source(%arg9 : memref<256x128xf32, #tpu.memory_space<vmem>>) target(%dma_start3A_68 : memref<256x128xf32, #tpu.memory_space<hbm>>) target_semaphore(%run_scoped3A : memref<!tpu.dma_semaphore, #tpu.memory_space<semaphore_mem>>)
      %dma_wait3A_69 = arith.constant 0 : i32
      %dma_wait3A_70 = tpu.memref_slice %arg6[%mul3A_2, %dma_wait3A_69] : memref<8192x128xf32, #tpu.memory_space<hbm>> -> memref<256x128xf32, #tpu.memory_space<hbm>>
      %dma_wait3A_71 = arith.constant 0 : i32
      %dma_wait3A_72 = tpu.memref_slice %arg6[%mul3A_2, %dma_wait3A_71] : memref<8192x128xf32, #tpu.memory_space<hbm>> -> memref<256x128xf32, #tpu.memory_space<hbm>>
      tpu.wait_dma2 semaphore(%run_scoped3A : memref<!tpu.dma_semaphore, #tpu.memory_space<semaphore_mem>>) src(%arg9 : memref<256x128xf32, #tpu.memory_space<vmem>>) dst(%dma_wait3A_72 : memref<256x128xf32, #tpu.memory_space<hbm>>)
      tpu.yield
    }) : () -> ()
    "tpu.region"() ({
      %run_scoped3A = tpu.sem_alloc : memref<!tpu.dma_semaphore, #tpu.memory_space<semaphore_mem>>
      %dma_start3A_65 = tpu.memref_slice %arg3[%mul3A_2] : memref<8192xi32, #tpu.memory_space<hbm>> -> memref<256xi32, #tpu.memory_space<hbm>>
      %dma_start3A_66 = tpu.memref_slice %arg3[%mul3A_2] : memref<8192xi32, #tpu.memory_space<hbm>> -> memref<256xi32, #tpu.memory_space<hbm>>
      tpu.enqueue_dma source(%dma_start3A_66 : memref<256xi32, #tpu.memory_space<hbm>>) target(%arg8 : memref<256xi32, #tpu.memory_space<vmem>>) target_semaphore(%run_scoped3A : memref<!tpu.dma_semaphore, #tpu.memory_space<semaphore_mem>>)
      %dma_wait3A_67 = tpu.memref_slice %arg3[%mul3A_2] : memref<8192xi32, #tpu.memory_space<hbm>> -> memref<256xi32, #tpu.memory_space<hbm>>
      %dma_wait3A_68 = tpu.memref_slice %arg3[%mul3A_2] : memref<8192xi32, #tpu.memory_space<hbm>> -> memref<256xi32, #tpu.memory_space<hbm>>
      tpu.wait_dma2 semaphore(%run_scoped3A : memref<!tpu.dma_semaphore, #tpu.memory_space<semaphore_mem>>) src(%dma_wait3A_68 : memref<256xi32, #tpu.memory_space<hbm>>) dst(%arg8 : memref<256xi32, #tpu.memory_space<vmem>>)
      tpu.yield
    }) : () -> ()
    %dma_start3A_33 = arith.constant 0 : i32
    %dma_start3A_34 = arith.constant 0 : i32
    %dma_start3A_35 = tpu.memref_slice %arg9[%dma_start3A_33, %dma_start3A_34] : memref<256x128xf32, #tpu.memory_space<vmem>> -> memref<128x128xf32, #tpu.memory_space<vmem>>
    %dma_start3A_36 = arith.constant 0 : i32
    %dma_start3A_37 = tpu.memref_slice %arg8[%dma_start3A_36] : memref<256xi32, #tpu.memory_space<vmem>> -> memref<128xi32, #tpu.memory_space<vmem>>
    %dma_start3A_38 = arith.constant 0 : i32
    %dma_start3A_39 = arith.constant 0 : i32
    %dma_start3A_40 = tpu.memref_slice %arg5[%dma_start3A_38, %dma_start3A_39] : memref<100000x128xf32, #tpu.memory_space<hbm>> -> memref<100000x128xf32, #tpu.memory_space<hbm>>
    tpu.enqueue_indirect_dma source(%dma_start3A_40 : memref<100000x128xf32, #tpu.memory_space<hbm>>) target(%dma_start3A_35 : memref<128x128xf32, #tpu.memory_space<vmem>>) offsets(%dma_start3A_37 : memref<128xi32, #tpu.memory_space<vmem>>) semaphore(%arg10 : memref<!tpu.dma_semaphore, #tpu.memory_space<semaphore_mem>>)
    %dma_start3A_41 = arith.constant 128 : i32
    %dma_start3A_42 = arith.constant 0 : i32
    %dma_start3A_43 = tpu.memref_slice %arg9[%dma_start3A_41, %dma_start3A_42] : memref<256x128xf32, #tpu.memory_space<vmem>> -> memref<128x128xf32, #tpu.memory_space<vmem>>
    %dma_start3A_44 = arith.constant 128 : i32
    %dma_start3A_45 = tpu.memref_slice %arg8[%dma_start3A_44] : memref<256xi32, #tpu.memory_space<vmem>> -> memref<128xi32, #tpu.memory_space<vmem>>
    %dma_start3A_46 = arith.constant 0 : i32
    %dma_start3A_47 = arith.constant 0 : i32
    %dma_start3A_48 = tpu.memref_slice %arg5[%dma_start3A_46, %dma_start3A_47] : memref<100000x128xf32, #tpu.memory_space<hbm>> -> memref<100000x128xf32, #tpu.memory_space<hbm>>
    tpu.enqueue_indirect_dma source(%dma_start3A_48 : memref<100000x128xf32, #tpu.memory_space<hbm>>) target(%dma_start3A_43 : memref<128x128xf32, #tpu.memory_space<vmem>>) offsets(%dma_start3A_45 : memref<128xi32, #tpu.memory_space<vmem>>) semaphore(%arg10 : memref<!tpu.dma_semaphore, #tpu.memory_space<semaphore_mem>>)
    %dma_wait3A_49 = arith.constant 0 : i32
    %dma_wait3A_50 = arith.constant 0 : i32
    %dma_wait3A_51 = tpu.memref_slice %arg9[%dma_wait3A_49, %dma_wait3A_50] : memref<256x128xf32, #tpu.memory_space<vmem>> -> memref<128x128xf32, #tpu.memory_space<vmem>>
    %dma_wait3A_52 = arith.constant 0 : i32
    %dma_wait3A_53 = tpu.memref_slice %arg8[%dma_wait3A_52] : memref<256xi32, #tpu.memory_space<vmem>> -> memref<128xi32, #tpu.memory_space<vmem>>
    %dma_wait3A_54 = arith.constant 0 : i32
    %dma_wait3A_55 = arith.constant 0 : i32
    %dma_wait3A_56 = tpu.memref_slice %arg5[%dma_wait3A_54, %dma_wait3A_55] : memref<100000x128xf32, #tpu.memory_space<hbm>> -> memref<100000x128xf32, #tpu.memory_space<hbm>>
    tpu.wait_indirect_dma semaphore(%arg10 : memref<!tpu.dma_semaphore, #tpu.memory_space<semaphore_mem>>) src(%dma_wait3A_56 : memref<100000x128xf32, #tpu.memory_space<hbm>>) dst(%dma_wait3A_51 : memref<128x128xf32, #tpu.memory_space<vmem>>)
    %dma_wait3A_57 = arith.constant 128 : i32
    %dma_wait3A_58 = arith.constant 0 : i32
    %dma_wait3A_59 = tpu.memref_slice %arg9[%dma_wait3A_57, %dma_wait3A_58] : memref<256x128xf32, #tpu.memory_space<vmem>> -> memref<128x128xf32, #tpu.memory_space<vmem>>
    %dma_wait3A_60 = arith.constant 128 : i32
    %dma_wait3A_61 = tpu.memref_slice %arg8[%dma_wait3A_60] : memref<256xi32, #tpu.memory_space<vmem>> -> memref<128xi32, #tpu.memory_space<vmem>>
    %dma_wait3A_62 = arith.constant 0 : i32
    %dma_wait3A_63 = arith.constant 0 : i32
    %dma_wait3A_64 = tpu.memref_slice %arg5[%dma_wait3A_62, %dma_wait3A_63] : memref<100000x128xf32, #tpu.memory_space<hbm>> -> memref<100000x128xf32, #tpu.memory_space<hbm>>
    tpu.wait_indirect_dma semaphore(%arg10 : memref<!tpu.dma_semaphore, #tpu.memory_space<semaphore_mem>>) src(%dma_wait3A_64 : memref<100000x128xf32, #tpu.memory_space<hbm>>) dst(%dma_wait3A_59 : memref<128x128xf32, #tpu.memory_space<vmem>>)
    "tpu.region"() ({
      %run_scoped3A = tpu.sem_alloc : memref<!tpu.dma_semaphore, #tpu.memory_space<semaphore_mem>>
      %dma_start3A_65 = arith.constant 0 : i32
      %dma_start3A_66 = tpu.memref_slice %arg7[%mul3A_2, %dma_start3A_65] : memref<8192x128xf32, #tpu.memory_space<hbm>> -> memref<256x128xf32, #tpu.memory_space<hbm>>
      %dma_start3A_67 = arith.constant 0 : i32
      %dma_start3A_68 = tpu.memref_slice %arg7[%mul3A_2, %dma_start3A_67] : memref<8192x128xf32, #tpu.memory_space<hbm>> -> memref<256x128xf32, #tpu.memory_space<hbm>>
      tpu.enqueue_dma source(%arg9 : memref<256x128xf32, #tpu.memory_space<vmem>>) target(%dma_start3A_68 : memref<256x128xf32, #tpu.memory_space<hbm>>) target_semaphore(%run_scoped3A : memref<!tpu.dma_semaphore, #tpu.memory_space<semaphore_mem>>)
      %dma_wait3A_69 = arith.constant 0 : i32
      %dma_wait3A_70 = tpu.memref_slice %arg7[%mul3A_2, %dma_wait3A_69] : memref<8192x128xf32, #tpu.memory_space<hbm>> -> memref<256x128xf32, #tpu.memory_space<hbm>>
      %dma_wait3A_71 = arith.constant 0 : i32
      %dma_wait3A_72 = tpu.memref_slice %arg7[%mul3A_2, %dma_wait3A_71] : memref<8192x128xf32, #tpu.memory_space<hbm>> -> memref<256x128xf32, #tpu.memory_space<hbm>>
      tpu.wait_dma2 semaphore(%run_scoped3A : memref<!tpu.dma_semaphore, #tpu.memory_space<semaphore_mem>>) src(%arg9 : memref<256x128xf32, #tpu.memory_space<vmem>>) dst(%dma_wait3A_72 : memref<256x128xf32, #tpu.memory_space<hbm>>)
      tpu.yield
    }) : () -> ()
    return
  }
}

#map = affine_map<(d0, d1) -> (0)>
#map1 = affine_map<(d0, d1) -> (0, 0)>
module attributes {stable_mosaic.version = 14 : i64} {
  func.func @gk(%arg0: i32, %arg1: i32, %arg2: memref<8192xi32, #tpu.memory_space<hbm>>, %arg3: memref<8192xi32, #tpu.memory_space<hbm>>, %arg4: memref<100000x128xf32, #tpu.memory_space<hbm>>, %arg5: memref<100000x128xf32, #tpu.memory_space<hbm>>, %arg6: memref<8192x128xf32, #tpu.memory_space<hbm>>, %arg7: memref<8192x128xf32, #tpu.memory_space<hbm>>, %arg8: memref<256xi32, #tpu.memory_space<vmem>>, %arg9: memref<256x128xf32, #tpu.memory_space<vmem>>, %arg10: memref<!tpu.dma_semaphore, #tpu.memory_space<semaphore_mem>>) attributes {dimension_semantics = [#tpu.dimension_semantics<core_parallel>, #tpu.dimension_semantics<subcore_parallel>], iteration_bounds = array<i64: 2, 16>, scalar_prefetch = 0 : i64, scratch_operands = 3 : i64, tpu.core_type = #tpu.core_type<sc_vector_subcore>, window_params = [{transform_indices = #map}, {transform_indices = #map}, {transform_indices = #map1}, {transform_indices = #map1}, {transform_indices = #map1}, {transform_indices = #map1}]} {
    %mul3A = arith.constant 2 : i32
    %mul3A_0 = arith.muli %arg1, %mul3A : i32
    %add3A = arith.addi %mul3A_0, %arg0 : i32
    %mul3A_1 = arith.constant 256 : i32
    %mul3A_2 = arith.muli %add3A, %mul3A_1 : i32
    "tpu.region"() ({
      %run_scoped3A = tpu.sem_alloc : memref<!tpu.dma_semaphore, #tpu.memory_space<semaphore_mem>>
      %dma_start3A_65 = tpu.memref_slice %arg2[%mul3A_2] : memref<8192xi32, #tpu.memory_space<hbm>> -> memref<256xi32, #tpu.memory_space<hbm>>
      %dma_start3A_66 = tpu.memref_slice %arg2[%mul3A_2] : memref<8192xi32, #tpu.memory_space<hbm>> -> memref<256xi32, #tpu.memory_space<hbm>>
      tpu.enqueue_dma source(%dma_start3A_66 : memref<256xi32, #tpu.memory_space<hbm>>) target(%arg8 : memref<256xi32, #tpu.memory_space<vmem>>) target_semaphore(%run_scoped3A : memref<!tpu.dma_semaphore, #tpu.memory_space<semaphore_mem>>)
      %dma_wait3A_67 = tpu.memref_slice %arg2[%mul3A_2] : memref<8192xi32, #tpu.memory_space<hbm>> -> memref<256xi32, #tpu.memory_space<hbm>>
      %dma_wait3A_68 = tpu.memref_slice %arg2[%mul3A_2] : memref<8192xi32, #tpu.memory_space<hbm>> -> memref<256xi32, #tpu.memory_space<hbm>>
      tpu.wait_dma2 semaphore(%run_scoped3A : memref<!tpu.dma_semaphore, #tpu.memory_space<semaphore_mem>>) src(%dma_wait3A_68 : memref<256xi32, #tpu.memory_space<hbm>>) dst(%arg8 : memref<256xi32, #tpu.memory_space<vmem>>)
      tpu.yield
    }) : () -> ()
    %dma_start3A = arith.constant 0 : i32
    %dma_start3A_3 = arith.constant 0 : i32
    %dma_start3A_4 = tpu.memref_slice %arg9[%dma_start3A, %dma_start3A_3] : memref<256x128xf32, #tpu.memory_space<vmem>> -> memref<128x128xf32, #tpu.memory_space<vmem>>
    %dma_start3A_5 = arith.constant 0 : i32
    %dma_start3A_6 = tpu.memref_slice %arg8[%dma_start3A_5] : memref<256xi32, #tpu.memory_space<vmem>> -> memref<128xi32, #tpu.memory_space<vmem>>
    %dma_start3A_7 = arith.constant 0 : i32
    %dma_start3A_8 = arith.constant 0 : i32
    %dma_start3A_9 = tpu.memref_slice %arg4[%dma_start3A_7, %dma_start3A_8] : memref<100000x128xf32, #tpu.memory_space<hbm>> -> memref<100000x128xf32, #tpu.memory_space<hbm>>
    tpu.enqueue_indirect_dma source(%dma_start3A_9 : memref<100000x128xf32, #tpu.memory_space<hbm>>) target(%dma_start3A_4 : memref<128x128xf32, #tpu.memory_space<vmem>>) offsets(%dma_start3A_6 : memref<128xi32, #tpu.memory_space<vmem>>) semaphore(%arg10 : memref<!tpu.dma_semaphore, #tpu.memory_space<semaphore_mem>>)
    %dma_start3A_10 = arith.constant 128 : i32
    %dma_start3A_11 = arith.constant 0 : i32
    %dma_start3A_12 = tpu.memref_slice %arg9[%dma_start3A_10, %dma_start3A_11] : memref<256x128xf32, #tpu.memory_space<vmem>> -> memref<128x128xf32, #tpu.memory_space<vmem>>
    %dma_start3A_13 = arith.constant 128 : i32
    %dma_start3A_14 = tpu.memref_slice %arg8[%dma_start3A_13] : memref<256xi32, #tpu.memory_space<vmem>> -> memref<128xi32, #tpu.memory_space<vmem>>
    %dma_start3A_15 = arith.constant 0 : i32
    %dma_start3A_16 = arith.constant 0 : i32
    %dma_start3A_17 = tpu.memref_slice %arg4[%dma_start3A_15, %dma_start3A_16] : memref<100000x128xf32, #tpu.memory_space<hbm>> -> memref<100000x128xf32, #tpu.memory_space<hbm>>
    tpu.enqueue_indirect_dma source(%dma_start3A_17 : memref<100000x128xf32, #tpu.memory_space<hbm>>) target(%dma_start3A_12 : memref<128x128xf32, #tpu.memory_space<vmem>>) offsets(%dma_start3A_14 : memref<128xi32, #tpu.memory_space<vmem>>) semaphore(%arg10 : memref<!tpu.dma_semaphore, #tpu.memory_space<semaphore_mem>>)
    %dma_wait3A = arith.constant 0 : i32
    %dma_wait3A_18 = arith.constant 0 : i32
    %dma_wait3A_19 = tpu.memref_slice %arg9[%dma_wait3A, %dma_wait3A_18] : memref<256x128xf32, #tpu.memory_space<vmem>> -> memref<128x128xf32, #tpu.memory_space<vmem>>
    %dma_wait3A_20 = arith.constant 0 : i32
    %dma_wait3A_21 = tpu.memref_slice %arg8[%dma_wait3A_20] : memref<256xi32, #tpu.memory_space<vmem>> -> memref<128xi32, #tpu.memory_space<vmem>>
    %dma_wait3A_22 = arith.constant 0 : i32
    %dma_wait3A_23 = arith.constant 0 : i32
    %dma_wait3A_24 = tpu.memref_slice %arg4[%dma_wait3A_22, %dma_wait3A_23] : memref<100000x128xf32, #tpu.memory_space<hbm>> -> memref<100000x128xf32, #tpu.memory_space<hbm>>
    tpu.wait_indirect_dma semaphore(%arg10 : memref<!tpu.dma_semaphore, #tpu.memory_space<semaphore_mem>>) src(%dma_wait3A_24 : memref<100000x128xf32, #tpu.memory_space<hbm>>) dst(%dma_wait3A_19 : memref<128x128xf32, #tpu.memory_space<vmem>>)
    %dma_wait3A_25 = arith.constant 128 : i32
    %dma_wait3A_26 = arith.constant 0 : i32
    %dma_wait3A_27 = tpu.memref_slice %arg9[%dma_wait3A_25, %dma_wait3A_26] : memref<256x128xf32, #tpu.memory_space<vmem>> -> memref<128x128xf32, #tpu.memory_space<vmem>>
    %dma_wait3A_28 = arith.constant 128 : i32
    %dma_wait3A_29 = tpu.memref_slice %arg8[%dma_wait3A_28] : memref<256xi32, #tpu.memory_space<vmem>> -> memref<128xi32, #tpu.memory_space<vmem>>
    %dma_wait3A_30 = arith.constant 0 : i32
    %dma_wait3A_31 = arith.constant 0 : i32
    %dma_wait3A_32 = tpu.memref_slice %arg4[%dma_wait3A_30, %dma_wait3A_31] : memref<100000x128xf32, #tpu.memory_space<hbm>> -> memref<100000x128xf32, #tpu.memory_space<hbm>>
    tpu.wait_indirect_dma semaphore(%arg10 : memref<!tpu.dma_semaphore, #tpu.memory_space<semaphore_mem>>) src(%dma_wait3A_32 : memref<100000x128xf32, #tpu.memory_space<hbm>>) dst(%dma_wait3A_27 : memref<128x128xf32, #tpu.memory_space<vmem>>)
    "tpu.region"() ({
      %run_scoped3A = tpu.sem_alloc : memref<!tpu.dma_semaphore, #tpu.memory_space<semaphore_mem>>
      %dma_start3A_65 = arith.constant 0 : i32
      %dma_start3A_66 = tpu.memref_slice %arg6[%mul3A_2, %dma_start3A_65] : memref<8192x128xf32, #tpu.memory_space<hbm>> -> memref<256x128xf32, #tpu.memory_space<hbm>>
      %dma_start3A_67 = arith.constant 0 : i32
      %dma_start3A_68 = tpu.memref_slice %arg6[%mul3A_2, %dma_start3A_67] : memref<8192x128xf32, #tpu.memory_space<hbm>> -> memref<256x128xf32, #tpu.memory_space<hbm>>
      tpu.enqueue_dma source(%arg9 : memref<256x128xf32, #tpu.memory_space<vmem>>) target(%dma_start3A_68 : memref<256x128xf32, #tpu.memory_space<hbm>>) target_semaphore(%run_scoped3A : memref<!tpu.dma_semaphore, #tpu.memory_space<semaphore_mem>>)
      %dma_wait3A_69 = arith.constant 0 : i32
      %dma_wait3A_70 = tpu.memref_slice %arg6[%mul3A_2, %dma_wait3A_69] : memref<8192x128xf32, #tpu.memory_space<hbm>> -> memref<256x128xf32, #tpu.memory_space<hbm>>
      %dma_wait3A_71 = arith.constant 0 : i32
      %dma_wait3A_72 = tpu.memref_slice %arg6[%mul3A_2, %dma_wait3A_71] : memref<8192x128xf32, #tpu.memory_space<hbm>> -> memref<256x128xf32, #tpu.memory_space<hbm>>
      tpu.wait_dma2 semaphore(%run_scoped3A : memref<!tpu.dma_semaphore, #tpu.memory_space<semaphore_mem>>) src(%arg9 : memref<256x128xf32, #tpu.memory_space<vmem>>) dst(%dma_wait3A_72 : memref<256x128xf32, #tpu.memory_space<hbm>>)
      tpu.yield
    }) : () -> ()
    "tpu.region"() ({
      %run_scoped3A = tpu.sem_alloc : memref<!tpu.dma_semaphore, #tpu.memory_space<semaphore_mem>>
      %dma_start3A_65 = tpu.memref_slice %arg3[%mul3A_2] : memref<8192xi32, #tpu.memory_space<hbm>> -> memref<256xi32, #tpu.memory_space<hbm>>
      %dma_start3A_66 = tpu.memref_slice %arg3[%mul3A_2] : memref<8192xi32, #tpu.memory_space<hbm>> -> memref<256xi32, #tpu.memory_space<hbm>>
      tpu.enqueue_dma source(%dma_start3A_66 : memref<256xi32, #tpu.memory_space<hbm>>) target(%arg8 : memref<256xi32, #tpu.memory_space<vmem>>) target_semaphore(%run_scoped3A : memref<!tpu.dma_semaphore, #tpu.memory_space<semaphore_mem>>)
      %dma_wait3A_67 = tpu.memref_slice %arg3[%mul3A_2] : memref<8192xi32, #tpu.memory_space<hbm>> -> memref<256xi32, #tpu.memory_space<hbm>>
      %dma_wait3A_68 = tpu.memref_slice %arg3[%mul3A_2] : memref<8192xi32, #tpu.memory_space<hbm>> -> memref<256xi32, #tpu.memory_space<hbm>>
      tpu.wait_dma2 semaphore(%run_scoped3A : memref<!tpu.dma_semaphore, #tpu.memory_space<semaphore_mem>>) src(%dma_wait3A_68 : memref<256xi32, #tpu.memory_space<hbm>>) dst(%arg8 : memref<256xi32, #tpu.memory_space<vmem>>)
      tpu.yield
    }) : () -> ()
    %dma_start3A_33 = arith.constant 0 : i32
    %dma_start3A_34 = arith.constant 0 : i32
    %dma_start3A_35 = tpu.memref_slice %arg9[%dma_start3A_33, %dma_start3A_34] : memref<256x128xf32, #tpu.memory_space<vmem>> -> memref<128x128xf32, #tpu.memory_space<vmem>>
    %dma_start3A_36 = arith.constant 0 : i32
    %dma_start3A_37 = tpu.memref_slice %arg8[%dma_start3A_36] : memref<256xi32, #tpu.memory_space<vmem>> -> memref<128xi32, #tpu.memory_space<vmem>>
    %dma_start3A_38 = arith.constant 0 : i32
    %dma_start3A_39 = arith.constant 0 : i32
    %dma_start3A_40 = tpu.memref_slice %arg5[%dma_start3A_38, %dma_start3A_39] : memref<100000x128xf32, #tpu.memory_space<hbm>> -> memref<100000x128xf32, #tpu.memory_space<hbm>>
    tpu.enqueue_indirect_dma source(%dma_start3A_40 : memref<100000x128xf32, #tpu.memory_space<hbm>>) target(%dma_start3A_35 : memref<128x128xf32, #tpu.memory_space<vmem>>) offsets(%dma_start3A_37 : memref<128xi32, #tpu.memory_space<vmem>>) semaphore(%arg10 : memref<!tpu.dma_semaphore, #tpu.memory_space<semaphore_mem>>)
    %dma_start3A_41 = arith.constant 128 : i32
    %dma_start3A_42 = arith.constant 0 : i32
    %dma_start3A_43 = tpu.memref_slice %arg9[%dma_start3A_41, %dma_start3A_42] : memref<256x128xf32, #tpu.memory_space<vmem>> -> memref<128x128xf32, #tpu.memory_space<vmem>>
    %dma_start3A_44 = arith.constant 128 : i32
    %dma_start3A_45 = tpu.memref_slice %arg8[%dma_start3A_44] : memref<256xi32, #tpu.memory_space<vmem>> -> memref<128xi32, #tpu.memory_space<vmem>>
    %dma_start3A_46 = arith.constant 0 : i32
    %dma_start3A_47 = arith.constant 0 : i32
    %dma_start3A_48 = tpu.memref_slice %arg5[%dma_start3A_46, %dma_start3A_47] : memref<100000x128xf32, #tpu.memory_space<hbm>> -> memref<100000x128xf32, #tpu.memory_space<hbm>>
    tpu.enqueue_indirect_dma source(%dma_start3A_48 : memref<100000x128xf32, #tpu.memory_space<hbm>>) target(%dma_start3A_43 : memref<128x128xf32, #tpu.memory_space<vmem>>) offsets(%dma_start3A_45 : memref<128xi32, #tpu.memory_space<vmem>>) semaphore(%arg10 : memref<!tpu.dma_semaphore, #tpu.memory_space<semaphore_mem>>)
    %dma_wait3A_49 = arith.constant 0 : i32
    %dma_wait3A_50 = arith.constant 0 : i32
    %dma_wait3A_51 = tpu.memref_slice %arg9[%dma_wait3A_49, %dma_wait3A_50] : memref<256x128xf32, #tpu.memory_space<vmem>> -> memref<128x128xf32, #tpu.memory_space<vmem>>
    %dma_wait3A_52 = arith.constant 0 : i32
    %dma_wait3A_53 = tpu.memref_slice %arg8[%dma_wait3A_52] : memref<256xi32, #tpu.memory_space<vmem>> -> memref<128xi32, #tpu.memory_space<vmem>>
    %dma_wait3A_54 = arith.constant 0 : i32
    %dma_wait3A_55 = arith.constant 0 : i32
    %dma_wait3A_56 = tpu.memref_slice %arg5[%dma_wait3A_54, %dma_wait3A_55] : memref<100000x128xf32, #tpu.memory_space<hbm>> -> memref<100000x128xf32, #tpu.memory_space<hbm>>
    tpu.wait_indirect_dma semaphore(%arg10 : memref<!tpu.dma_semaphore, #tpu.memory_space<semaphore_mem>>) src(%dma_wait3A_56 : memref<100000x128xf32, #tpu.memory_space<hbm>>) dst(%dma_wait3A_51 : memref<128x128xf32, #tpu.memory_space<vmem>>)
    %dma_wait3A_57 = arith.constant 128 : i32
    %dma_wait3A_58 = arith.constant 0 : i32
    %dma_wait3A_59 = tpu.memref_slice %arg9[%dma_wait3A_57, %dma_wait3A_58] : memref<256x128xf32, #tpu.memory_space<vmem>> -> memref<128x128xf32, #tpu.memory_space<vmem>>
    %dma_wait3A_60 = arith.constant 128 : i32
    %dma_wait3A_61 = tpu.memref_slice %arg8[%dma_wait3A_60] : memref<256xi32, #tpu.memory_space<vmem>> -> memref<128xi32, #tpu.memory_space<vmem>>
    %dma_wait3A_62 = arith.constant 0 : i32
    %dma_wait3A_63 = arith.constant 0 : i32
    %dma_wait3A_64 = tpu.memref_slice %arg5[%dma_wait3A_62, %dma_wait3A_63] : memref<100000x128xf32, #tpu.memory_space<hbm>> -> memref<100000x128xf32, #tpu.memory_space<hbm>>
    tpu.wait_indirect_dma semaphore(%arg10 : memref<!tpu.dma_semaphore, #tpu.memory_space<semaphore_mem>>) src(%dma_wait3A_64 : memref<100000x128xf32, #tpu.memory_space<hbm>>) dst(%dma_wait3A_59 : memref<128x128xf32, #tpu.memory_space<vmem>>)
    "tpu.region"() ({
      %run_scoped3A = tpu.sem_alloc : memref<!tpu.dma_semaphore, #tpu.memory_space<semaphore_mem>>
      %dma_start3A_65 = arith.constant 0 : i32
      %dma_start3A_66 = tpu.memref_slice %arg7[%mul3A_2, %dma_start3A_65] : memref<8192x128xf32, #tpu.memory_space<hbm>> -> memref<256x128xf32, #tpu.memory_space<hbm>>
      %dma_start3A_67 = arith.constant 0 : i32
      %dma_start3A_68 = tpu.memref_slice %arg7[%mul3A_2, %dma_start3A_67] : memref<8192x128xf32, #tpu.memory_space<hbm>> -> memref<256x128xf32, #tpu.memory_space<hbm>>
      tpu.enqueue_dma source(%arg9 : memref<256x128xf32, #tpu.memory_space<vmem>>) target(%dma_start3A_68 : memref<256x128xf32, #tpu.memory_space<hbm>>) target_semaphore(%run_scoped3A : memref<!tpu.dma_semaphore, #tpu.memory_space<semaphore_mem>>)
      %dma_wait3A_69 = arith.constant 0 : i32
      %dma_wait3A_70 = tpu.memref_slice %arg7[%mul3A_2, %dma_wait3A_69] : memref<8192x128xf32, #tpu.memory_space<hbm>> -> memref<256x128xf32, #tpu.memory_space<hbm>>
      %dma_wait3A_71 = arith.constant 0 : i32
      %dma_wait3A_72 = tpu.memref_slice %arg7[%mul3A_2, %dma_wait3A_71] : memref<8192x128xf32, #tpu.memory_space<hbm>> -> memref<256x128xf32, #tpu.memory_space<hbm>>
      tpu.wait_dma2 semaphore(%run_scoped3A : memref<!tpu.dma_semaphore, #tpu.memory_space<semaphore_mem>>) src(%arg9 : memref<256x128xf32, #tpu.memory_space<vmem>>) dst(%dma_wait3A_72 : memref<256x128xf32, #tpu.memory_space<hbm>>)
      tpu.yield
    }) : () -> ()
    return
  }
}

module attributes {stable_mosaic.version = 14 : i64} {
  func.func @_mlp_body(%arg0: i32, %arg1: memref<4096x128xf32, #tpu.memory_space<vmem>>, %arg2: memref<4096x128xf32, #tpu.memory_space<vmem>>, %arg3: memref<256x1024xf32, #tpu.memory_space<vmem>>, %arg4: memref<1024xf32, #tpu.memory_space<vmem>>, %arg5: memref<1024x512xf32, #tpu.memory_space<vmem>>, %arg6: memref<512xf32, #tpu.memory_space<vmem>>, %arg7: memref<512x256xf32, #tpu.memory_space<vmem>>, %arg8: memref<256xf32, #tpu.memory_space<vmem>>, %arg9: memref<256x1xf32, #tpu.memory_space<vmem>>, %arg10: memref<1xf32, #tpu.memory_space<vmem>>, %arg11: memref<4096x1xf32, #tpu.memory_space<vmem>>) attributes {dimension_semantics = [#tpu.dimension_semantics<arbitrary>], iteration_bounds = array<i64: 2>, scalar_prefetch = 0 : i64, scratch_operands = 0 : i64, tpu.core_type = #tpu.core_type<tc>, window_params = [{transform_indices = @transform_0, window_bounds = array<i64: 4096, 128>}, {transform_indices = @transform_1, window_bounds = array<i64: 4096, 128>}, {pipeline_mode = #tpu.pipeline_mode<synchronous>, transform_indices = @transform_2, window_bounds = array<i64: 256, 1024>}, {pipeline_mode = #tpu.pipeline_mode<synchronous>, transform_indices = @transform_3, window_bounds = array<i64: 1024>}, {pipeline_mode = #tpu.pipeline_mode<synchronous>, transform_indices = @transform_4, window_bounds = array<i64: 1024, 512>}, {pipeline_mode = #tpu.pipeline_mode<synchronous>, transform_indices = @transform_5, window_bounds = array<i64: 512>}, {pipeline_mode = #tpu.pipeline_mode<synchronous>, transform_indices = @transform_6, window_bounds = array<i64: 512, 256>}, {pipeline_mode = #tpu.pipeline_mode<synchronous>, transform_indices = @transform_7, window_bounds = array<i64: 256>}, {pipeline_mode = #tpu.pipeline_mode<synchronous>, transform_indices = @transform_8, window_bounds = array<i64: 256, 1>}, {pipeline_mode = #tpu.pipeline_mode<synchronous>, transform_indices = @transform_9, window_bounds = array<i64: 1>}, {transform_indices = @transform_10, window_bounds = array<i64: 4096, 1>}]} {
    %get3A = arith.constant 0 : index
    %get3A_0 = arith.constant 0 : index
    %get3A_1 = vector.load %arg1[%get3A, %get3A_0] : memref<4096x128xf32, #tpu.memory_space<vmem>>, vector<4096x128xf32>
    %get3A_2 = arith.constant 0 : index
    %get3A_3 = arith.constant 0 : index
    %get3A_4 = vector.load %arg2[%get3A_2, %get3A_3] : memref<4096x128xf32, #tpu.memory_space<vmem>>, vector<4096x128xf32>
    %concatenate3A = tpu.concatenate %get3A_1, %get3A_4 in 1 : vector<4096x128xf32>, vector<4096x128xf32> -> vector<4096x256xf32>
    %get3A_5 = arith.constant 0 : index
    %get3A_6 = arith.constant 0 : index
    %get3A_7 = vector.load %arg3[%get3A_5, %get3A_6] : memref<256x1024xf32, #tpu.memory_space<vmem>>, vector<256x1024xf32>
    %dot_general3A = arith.constant dense<0.000000e+00> : vector<4096x1024xf32>
    %dot_general3A_8 = tpu.matmul %concatenate3A, %get3A_7, %dot_general3A {dimension_numbers = #tpu.dot_dimension_numbers<[1], [0], [0], [1], [0, 0, 1, 1], [], []>, transpose_lhs_hint = false} : vector<4096x256xf32>, vector<256x1024xf32>, vector<4096x1024xf32> -> vector<4096x1024xf32>
    %get3A_9 = arith.constant 0 : index
    %get3A_10 = vector.load %arg4[%get3A_9] : memref<1024xf32, #tpu.memory_space<vmem>>, vector<1024xf32>
    %broadcast_in_dim3A = vector.shape_cast %get3A_10 : vector<1024xf32> to vector<1x1024xf32>
    %add3A = vector.broadcast %broadcast_in_dim3A : vector<1x1024xf32> to vector<4096x1024xf32>
    %add3A_11 = arith.addf %dot_general3A_8, %add3A : vector<4096x1024xf32>
    %max3A = arith.constant 0.000000e+00 : f32
    %max3A_12 = vector.broadcast %max3A : f32 to vector<4096x1024xf32>
    %max3A_13 = arith.maximumf %add3A_11, %max3A_12 : vector<4096x1024xf32>
    %get3A_14 = arith.constant 0 : index
    %get3A_15 = arith.constant 0 : index
    %get3A_16 = vector.load %arg5[%get3A_14, %get3A_15] : memref<1024x512xf32, #tpu.memory_space<vmem>>, vector<1024x512xf32>
    %dot_general3A_17 = arith.constant dense<0.000000e+00> : vector<4096x512xf32>
    %dot_general3A_18 = tpu.matmul %max3A_13, %get3A_16, %dot_general3A_17 {dimension_numbers = #tpu.dot_dimension_numbers<[1], [0], [0], [1], [0, 0, 1, 1], [], []>, transpose_lhs_hint = false} : vector<4096x1024xf32>, vector<1024x512xf32>, vector<4096x512xf32> -> vector<4096x512xf32>
    %get3A_19 = arith.constant 0 : index
    %get3A_20 = vector.load %arg6[%get3A_19] : memref<512xf32, #tpu.memory_space<vmem>>, vector<512xf32>
    %broadcast_in_dim3A_21 = vector.shape_cast %get3A_20 : vector<512xf32> to vector<1x512xf32>
    %add3A_22 = vector.broadcast %broadcast_in_dim3A_21 : vector<1x512xf32> to vector<4096x512xf32>
    %add3A_23 = arith.addf %dot_general3A_18, %add3A_22 : vector<4096x512xf32>
    %max3A_24 = arith.constant 0.000000e+00 : f32
    %max3A_25 = vector.broadcast %max3A_24 : f32 to vector<4096x512xf32>
    %max3A_26 = arith.maximumf %add3A_23, %max3A_25 : vector<4096x512xf32>
    %get3A_27 = arith.constant 0 : index
    %get3A_28 = arith.constant 0 : index
    %get3A_29 = vector.load %arg7[%get3A_27, %get3A_28] : memref<512x256xf32, #tpu.memory_space<vmem>>, vector<512x256xf32>
    %dot_general3A_30 = arith.constant dense<0.000000e+00> : vector<4096x256xf32>
    %dot_general3A_31 = tpu.matmul %max3A_26, %get3A_29, %dot_general3A_30 {dimension_numbers = #tpu.dot_dimension_numbers<[1], [0], [0], [1], [0, 0, 1, 1], [], []>, transpose_lhs_hint = false} : vector<4096x512xf32>, vector<512x256xf32>, vector<4096x256xf32> -> vector<4096x256xf32>
    %get3A_32 = arith.constant 0 : index
    %get3A_33 = vector.load %arg8[%get3A_32] : memref<256xf32, #tpu.memory_space<vmem>>, vector<256xf32>
    %broadcast_in_dim3A_34 = vector.shape_cast %get3A_33 : vector<256xf32> to vector<1x256xf32>
    %add3A_35 = vector.broadcast %broadcast_in_dim3A_34 : vector<1x256xf32> to vector<4096x256xf32>
    %add3A_36 = arith.addf %dot_general3A_31, %add3A_35 : vector<4096x256xf32>
    %max3A_37 = arith.constant 0.000000e+00 : f32
    %max3A_38 = vector.broadcast %max3A_37 : f32 to vector<4096x256xf32>
    %max3A_39 = arith.maximumf %add3A_36, %max3A_38 : vector<4096x256xf32>
    %get3A_40 = arith.constant 0 : index
    %get3A_41 = arith.constant 0 : index
    %get3A_42 = vector.load %arg9[%get3A_40, %get3A_41] : memref<256x1xf32, #tpu.memory_space<vmem>>, vector<256x1xf32>
    %dot_general3A_43 = arith.constant dense<0.000000e+00> : vector<4096x1xf32>
    %dot_general3A_44 = tpu.matmul %max3A_39, %get3A_42, %dot_general3A_43 {dimension_numbers = #tpu.dot_dimension_numbers<[1], [0], [0], [1], [0, 0, 1, 1], [], []>, transpose_lhs_hint = false} : vector<4096x256xf32>, vector<256x1xf32>, vector<4096x1xf32> -> vector<4096x1xf32>
    %get3A_45 = arith.constant 0 : index
    %get3A_46 = vector.load %arg10[%get3A_45] : memref<1xf32, #tpu.memory_space<vmem>>, vector<1xf32>
    %broadcast_in_dim3A_47 = vector.shape_cast %get3A_46 : vector<1xf32> to vector<1x1xf32>
    %add3A_48 = vector.broadcast %broadcast_in_dim3A_47 : vector<1x1xf32> to vector<4096x1xf32>
    %add3A_49 = arith.addf %dot_general3A_44, %add3A_48 : vector<4096x1xf32>
    %swap3A = arith.constant 0 : index
    %swap3A_50 = arith.constant 0 : index
    %swap3A_51 = vector.load %arg11[%swap3A, %swap3A_50] : memref<4096x1xf32, #tpu.memory_space<vmem>>, vector<4096x1xf32>
    tpu.vector_store %arg11[%swap3A, %swap3A_50], %add3A_49 {strides = array<i32>} : memref<4096x1xf32, #tpu.memory_space<vmem>>, vector<4096x1xf32>,
    return
  }
  func.func @transform_0(%arg0: i32) -> (i32, i32) {
    %c0_i32 = arith.constant 0 : i32
    %c0_i32_0 = arith.constant 0 : i32
    return %arg0, %c0_i32 : i32, i32
  }
  func.func @transform_1(%arg0: i32) -> (i32, i32) {
    %c0_i32 = arith.constant 0 : i32
    %c0_i32_0 = arith.constant 0 : i32
    return %arg0, %c0_i32 : i32, i32
  }
  func.func @transform_2(%arg0: i32) -> (i32, i32) {
    %c0_i32 = arith.constant 0 : i32
    %c0_i32_0 = arith.constant 0 : i32
    %c0_i32_1 = arith.constant 0 : i32
    return %c0_i32, %c0_i32_0 : i32, i32
  }
  func.func @transform_3(%arg0: i32) -> i32 {
    %c0_i32 = arith.constant 0 : i32
    %c0_i32_0 = arith.constant 0 : i32
    return %c0_i32 : i32
  }
  func.func @transform_4(%arg0: i32) -> (i32, i32) {
    %c0_i32 = arith.constant 0 : i32
    %c0_i32_0 = arith.constant 0 : i32
    %c0_i32_1 = arith.constant 0 : i32
    return %c0_i32, %c0_i32_0 : i32, i32
  }
  func.func @transform_5(%arg0: i32) -> i32 {
    %c0_i32 = arith.constant 0 : i32
    %c0_i32_0 = arith.constant 0 : i32
    return %c0_i32 : i32
  }
  func.func @transform_6(%arg0: i32) -> (i32, i32) {
    %c0_i32 = arith.constant 0 : i32
    %c0_i32_0 = arith.constant 0 : i32
    %c0_i32_1 = arith.constant 0 : i32
    return %c0_i32, %c0_i32_0 : i32, i32
  }
  func.func @transform_7(%arg0: i32) -> i32 {
    %c0_i32 = arith.constant 0 : i32
    %c0_i32_0 = arith.constant 0 : i32
    return %c0_i32 : i32
  }
  func.func @transform_8(%arg0: i32) -> (i32, i32) {
    %c0_i32 = arith.constant 0 : i32
    %c0_i32_0 = arith.constant 0 : i32
    %c0_i32_1 = arith.constant 0 : i32
    return %c0_i32, %c0_i32_0 : i32, i32
  }
  func.func @transform_9(%arg0: i32) -> i32 {
    %c0_i32 = arith.constant 0 : i32
    %c0_i32_0 = arith.constant 0 : i32
    return %c0_i32 : i32
  }
  func.func @transform_10(%arg0: i32) -> (i32, i32) {
    %add3A = arith.constant 0 : i32
    %add3A_0 = arith.addi %arg0, %add3A : i32
    %c0_i32 = arith.constant 0 : i32
    %c0_i32_1 = arith.constant 0 : i32
    return %add3A_0, %c0_i32 : i32, i32
  }
}

module attributes {stable_mosaic.version = 14 : i64} {
  func.func @_mlp_body_alias(%arg0: i32, %arg1: memref<4096x128xf32, #tpu.memory_space<vmem>>, %arg2: memref<4096x128xf32, #tpu.memory_space<vmem>>, %arg3: memref<256x1024xf32, #tpu.memory_space<vmem>>, %arg4: memref<1024xf32, #tpu.memory_space<vmem>>, %arg5: memref<1024x512xf32, #tpu.memory_space<vmem>>, %arg6: memref<512xf32, #tpu.memory_space<vmem>>, %arg7: memref<512x256xf32, #tpu.memory_space<vmem>>, %arg8: memref<256xf32, #tpu.memory_space<vmem>>, %arg9: memref<256x1xf32, #tpu.memory_space<vmem>>, %arg10: memref<1xf32, #tpu.memory_space<vmem>>, %arg11: memref<16384x1xf32, #tpu.memory_space<any>>, %arg12: memref<4096x1xf32, #tpu.memory_space<vmem>>) attributes {dimension_semantics = [#tpu.dimension_semantics<arbitrary>], iteration_bounds = array<i64: 2>, scalar_prefetch = 0 : i64, scratch_operands = 0 : i64, tpu.core_type = #tpu.core_type<tc>, window_params = [{transform_indices = @transform_0, window_bounds = array<i64: 4096, 128>}, {transform_indices = @transform_1, window_bounds = array<i64: 4096, 128>}, {pipeline_mode = #tpu.pipeline_mode<synchronous>, transform_indices = @transform_2, window_bounds = array<i64: 256, 1024>}, {pipeline_mode = #tpu.pipeline_mode<synchronous>, transform_indices = @transform_3, window_bounds = array<i64: 1024>}, {pipeline_mode = #tpu.pipeline_mode<synchronous>, transform_indices = @transform_4, window_bounds = array<i64: 1024, 512>}, {pipeline_mode = #tpu.pipeline_mode<synchronous>, transform_indices = @transform_5, window_bounds = array<i64: 512>}, {pipeline_mode = #tpu.pipeline_mode<synchronous>, transform_indices = @transform_6, window_bounds = array<i64: 512, 256>}, {pipeline_mode = #tpu.pipeline_mode<synchronous>, transform_indices = @transform_7, window_bounds = array<i64: 256>}, {pipeline_mode = #tpu.pipeline_mode<synchronous>, transform_indices = @transform_8, window_bounds = array<i64: 256, 1>}, {pipeline_mode = #tpu.pipeline_mode<synchronous>, transform_indices = @transform_9, window_bounds = array<i64: 1>}, {}, {transform_indices = @transform_11, window_bounds = array<i64: 4096, 1>}]} {
    %get3A = arith.constant 0 : index
    %get3A_0 = arith.constant 0 : index
    %get3A_1 = vector.load %arg1[%get3A, %get3A_0] : memref<4096x128xf32, #tpu.memory_space<vmem>>, vector<4096x128xf32>
    %get3A_2 = arith.constant 0 : index
    %get3A_3 = arith.constant 0 : index
    %get3A_4 = vector.load %arg2[%get3A_2, %get3A_3] : memref<4096x128xf32, #tpu.memory_space<vmem>>, vector<4096x128xf32>
    %concatenate3A = tpu.concatenate %get3A_1, %get3A_4 in 1 : vector<4096x128xf32>, vector<4096x128xf32> -> vector<4096x256xf32>
    %get3A_5 = arith.constant 0 : index
    %get3A_6 = arith.constant 0 : index
    %get3A_7 = vector.load %arg3[%get3A_5, %get3A_6] : memref<256x1024xf32, #tpu.memory_space<vmem>>, vector<256x1024xf32>
    %dot_general3A = arith.constant dense<0.000000e+00> : vector<4096x1024xf32>
    %dot_general3A_8 = tpu.matmul %concatenate3A, %get3A_7, %dot_general3A {dimension_numbers = #tpu.dot_dimension_numbers<[1], [0], [0], [1], [0, 0, 1, 1], [], []>, transpose_lhs_hint = false} : vector<4096x256xf32>, vector<256x1024xf32>, vector<4096x1024xf32> -> vector<4096x1024xf32>
    %get3A_9 = arith.constant 0 : index
    %get3A_10 = vector.load %arg4[%get3A_9] : memref<1024xf32, #tpu.memory_space<vmem>>, vector<1024xf32>
    %broadcast_in_dim3A = vector.shape_cast %get3A_10 : vector<1024xf32> to vector<1x1024xf32>
    %add3A = vector.broadcast %broadcast_in_dim3A : vector<1x1024xf32> to vector<4096x1024xf32>
    %add3A_11 = arith.addf %dot_general3A_8, %add3A : vector<4096x1024xf32>
    %max3A = arith.constant 0.000000e+00 : f32
    %max3A_12 = vector.broadcast %max3A : f32 to vector<4096x1024xf32>
    %max3A_13 = arith.maximumf %add3A_11, %max3A_12 : vector<4096x1024xf32>
    %get3A_14 = arith.constant 0 : index
    %get3A_15 = arith.constant 0 : index
    %get3A_16 = vector.load %arg5[%get3A_14, %get3A_15] : memref<1024x512xf32, #tpu.memory_space<vmem>>, vector<1024x512xf32>
    %dot_general3A_17 = arith.constant dense<0.000000e+00> : vector<4096x512xf32>
    %dot_general3A_18 = tpu.matmul %max3A_13, %get3A_16, %dot_general3A_17 {dimension_numbers = #tpu.dot_dimension_numbers<[1], [0], [0], [1], [0, 0, 1, 1], [], []>, transpose_lhs_hint = false} : vector<4096x1024xf32>, vector<1024x512xf32>, vector<4096x512xf32> -> vector<4096x512xf32>
    %get3A_19 = arith.constant 0 : index
    %get3A_20 = vector.load %arg6[%get3A_19] : memref<512xf32, #tpu.memory_space<vmem>>, vector<512xf32>
    %broadcast_in_dim3A_21 = vector.shape_cast %get3A_20 : vector<512xf32> to vector<1x512xf32>
    %add3A_22 = vector.broadcast %broadcast_in_dim3A_21 : vector<1x512xf32> to vector<4096x512xf32>
    %add3A_23 = arith.addf %dot_general3A_18, %add3A_22 : vector<4096x512xf32>
    %max3A_24 = arith.constant 0.000000e+00 : f32
    %max3A_25 = vector.broadcast %max3A_24 : f32 to vector<4096x512xf32>
    %max3A_26 = arith.maximumf %add3A_23, %max3A_25 : vector<4096x512xf32>
    %get3A_27 = arith.constant 0 : index
    %get3A_28 = arith.constant 0 : index
    %get3A_29 = vector.load %arg7[%get3A_27, %get3A_28] : memref<512x256xf32, #tpu.memory_space<vmem>>, vector<512x256xf32>
    %dot_general3A_30 = arith.constant dense<0.000000e+00> : vector<4096x256xf32>
    %dot_general3A_31 = tpu.matmul %max3A_26, %get3A_29, %dot_general3A_30 {dimension_numbers = #tpu.dot_dimension_numbers<[1], [0], [0], [1], [0, 0, 1, 1], [], []>, transpose_lhs_hint = false} : vector<4096x512xf32>, vector<512x256xf32>, vector<4096x256xf32> -> vector<4096x256xf32>
    %get3A_32 = arith.constant 0 : index
    %get3A_33 = vector.load %arg8[%get3A_32] : memref<256xf32, #tpu.memory_space<vmem>>, vector<256xf32>
    %broadcast_in_dim3A_34 = vector.shape_cast %get3A_33 : vector<256xf32> to vector<1x256xf32>
    %add3A_35 = vector.broadcast %broadcast_in_dim3A_34 : vector<1x256xf32> to vector<4096x256xf32>
    %add3A_36 = arith.addf %dot_general3A_31, %add3A_35 : vector<4096x256xf32>
    %max3A_37 = arith.constant 0.000000e+00 : f32
    %max3A_38 = vector.broadcast %max3A_37 : f32 to vector<4096x256xf32>
    %max3A_39 = arith.maximumf %add3A_36, %max3A_38 : vector<4096x256xf32>
    %get3A_40 = arith.constant 0 : index
    %get3A_41 = arith.constant 0 : index
    %get3A_42 = vector.load %arg9[%get3A_40, %get3A_41] : memref<256x1xf32, #tpu.memory_space<vmem>>, vector<256x1xf32>
    %dot_general3A_43 = arith.constant dense<0.000000e+00> : vector<4096x1xf32>
    %dot_general3A_44 = tpu.matmul %max3A_39, %get3A_42, %dot_general3A_43 {dimension_numbers = #tpu.dot_dimension_numbers<[1], [0], [0], [1], [0, 0, 1, 1], [], []>, transpose_lhs_hint = false} : vector<4096x256xf32>, vector<256x1xf32>, vector<4096x1xf32> -> vector<4096x1xf32>
    %get3A_45 = arith.constant 0 : index
    %get3A_46 = vector.load %arg10[%get3A_45] : memref<1xf32, #tpu.memory_space<vmem>>, vector<1xf32>
    %broadcast_in_dim3A_47 = vector.shape_cast %get3A_46 : vector<1xf32> to vector<1x1xf32>
    %add3A_48 = vector.broadcast %broadcast_in_dim3A_47 : vector<1x1xf32> to vector<4096x1xf32>
    %add3A_49 = arith.addf %dot_general3A_44, %add3A_48 : vector<4096x1xf32>
    %swap3A = arith.constant 0 : index
    %swap3A_50 = arith.constant 0 : index
    %swap3A_51 = vector.load %arg12[%swap3A, %swap3A_50] : memref<4096x1xf32, #tpu.memory_space<vmem>>, vector<4096x1xf32>
    tpu.vector_store %arg12[%swap3A, %swap3A_50], %add3A_49 {strides = array<i32>} : memref<4096x1xf32, #tpu.memory_space<vmem>>, vector<4096x1xf32>,
    return
  }
  func.func @transform_0(%arg0: i32) -> (i32, i32) {
    %c0_i32 = arith.constant 0 : i32
    %c0_i32_0 = arith.constant 0 : i32
    return %arg0, %c0_i32 : i32, i32
  }
  func.func @transform_1(%arg0: i32) -> (i32, i32) {
    %c0_i32 = arith.constant 0 : i32
    %c0_i32_0 = arith.constant 0 : i32
    return %arg0, %c0_i32 : i32, i32
  }
  func.func @transform_2(%arg0: i32) -> (i32, i32) {
    %c0_i32 = arith.constant 0 : i32
    %c0_i32_0 = arith.constant 0 : i32
    %c0_i32_1 = arith.constant 0 : i32
    return %c0_i32, %c0_i32_0 : i32, i32
  }
  func.func @transform_3(%arg0: i32) -> i32 {
    %c0_i32 = arith.constant 0 : i32
    %c0_i32_0 = arith.constant 0 : i32
    return %c0_i32 : i32
  }
  func.func @transform_4(%arg0: i32) -> (i32, i32) {
    %c0_i32 = arith.constant 0 : i32
    %c0_i32_0 = arith.constant 0 : i32
    %c0_i32_1 = arith.constant 0 : i32
    return %c0_i32, %c0_i32_0 : i32, i32
  }
  func.func @transform_5(%arg0: i32) -> i32 {
    %c0_i32 = arith.constant 0 : i32
    %c0_i32_0 = arith.constant 0 : i32
    return %c0_i32 : i32
  }
  func.func @transform_6(%arg0: i32) -> (i32, i32) {
    %c0_i32 = arith.constant 0 : i32
    %c0_i32_0 = arith.constant 0 : i32
    %c0_i32_1 = arith.constant 0 : i32
    return %c0_i32, %c0_i32_0 : i32, i32
  }
  func.func @transform_7(%arg0: i32) -> i32 {
    %c0_i32 = arith.constant 0 : i32
    %c0_i32_0 = arith.constant 0 : i32
    return %c0_i32 : i32
  }
  func.func @transform_8(%arg0: i32) -> (i32, i32) {
    %c0_i32 = arith.constant 0 : i32
    %c0_i32_0 = arith.constant 0 : i32
    %c0_i32_1 = arith.constant 0 : i32
    return %c0_i32, %c0_i32_0 : i32, i32
  }
  func.func @transform_9(%arg0: i32) -> i32 {
    %c0_i32 = arith.constant 0 : i32
    %c0_i32_0 = arith.constant 0 : i32
    return %c0_i32 : i32
  }
  func.func @transform_11(%arg0: i32) -> (i32, i32) {
    %add3A = arith.constant 2 : i32
    %add3A_0 = arith.addi %arg0, %add3A : i32
    %c0_i32 = arith.constant 0 : i32
    %c0_i32_1 = arith.constant 0 : i32
    return %add3A_0, %c0_i32 : i32, i32
  }
}

</mosaic_0001>

<sc_bundles>
// kernel: kernel.6.cloned.1.call-start
scs
__scs_entry_jumppad:
0x0: {  	(pc) =	sbr.rel $0x88, $3  }
0x1: {  	(tag) =	ssettag $0x0;
	lr =	simm.s32 $0x1  }
0x2: {  	[smem:$0x3F95] =	sst lr;
	_ =	strace $0xD0000000  }
0x3: {  	_ = 	snop  }
0x4: {  	_ = 	snop  }
0x5: {  	_ = 	snop  }
0x6: {  	_ = 	snop  }
0x7: {  	_ = 	snop  }
__scs_overlays_trampoline_lowered:
0x8: {  	[smem:$0x3FA4] =	sst s0  }
0x9: {  	[smem:$0x3FA5] =	sst s1  }
0xa: {  	[smem:$0x3FA6] =	sst s2  }
0xb: {  	[smem:$0x3FA7] =	sst s3  }
0xc: {  	[smem:$0x3FA8] =	sst s4  }
0xd: {  	[smem:$0x3FA9] =	sst s5  }
0xe: {  	[smem:$0x3FAA] =	sst s6  }
0xf: {  	[smem:$0x3FAB] =	sst s7  }
0x10: {  	[smem:$0x3FAC] =	sst s8  }
0x11: {  	[smem:$0x3FAD] =	sst s9;
	s0 =	simm.s32 @!p0 $0x0  }
0x12: {  	s1 =	sld [smem:$0x3F93];
	s0 =	simm.s32 @p0 $0x1  }
0x13: {  	[smem:$0x3FAE] =	sst s0;
	s0 =	simm.s32 @!p1 $0x0  }
0x14: {  	s2 =	sld [smem:$0x3F92];
	s0 =	simm.s32 @p1 $0x1  }
0x15: {  	[smem:$0x3FAF] =	sst s0;
	s0 =	simm.s32 @!p2 $0x0  }
0x16: {  	s3 =	sld [smem:$0x3FDB];
	s0 =	simm.s32 @p2 $0x1  }
0x17: {  	s4 =	simm.s32 $0x1BF5;
	[smem:$0x3FB1] =	sst s0  }
0x18: {  	s0 =	sld [smem:$0x3F94];
	_ =	swait.ge [sflag:s4], $0x0  }
0x19: {  	s7 =	sld [smem:$0x3F95]  }
0x1a: {  	s8 =	sadd.s32 $0xFFFFE003, lr  }
0x1b: {  	s9 =	sadd.s32 $0xFFFFFEF7, lr;
	s5 =	simm.s32 $0xFFFFFFFF;
	p2 =	slt.u32 s8, $0xFFFFF086  }
0x1c: {  	p1 =	slt.u32 s9, $0xF7A;
	s5 =	simm.s32 @!p2 $0x0  }
0x1d: {  	s5 =	simm.s32 @p1 $0x1;
	p0 =	seq.s32 s7, s2  }
0x1e: {  	s7 =	smul.u32 @!p0 $0xF7A, s2;
	p2 =	seq.s32 @!p0 s5, $0x0  }
0x1f: {  	s9 =	smul.u32 $0xF7A, s1;
	s8 =	simm.s32 @!p0 $0x1BF5;
	p2 =	por !p2, p0  }
0x20: {  	[sflag:s8] =	ssyncset.s32 @!p0 $0xFFFFF086;
	s6 =	sadd.s32 @!p0 s3, s7;
	s7 =	simm.s32 @!p0 $0x108  }
0x21: {  	s3 =	sadd.s32 s3, s9;
	s6 =	sadd.s32 @!p0 $0x88, s6;
	s7 =	simm.s32 @p2 $0x1082  }
0x22: {  	[simem:s7], [sflag:s8] =	dma.local @!p0 [hbm:s6], $0xF7A  }
0x23: {  	s9 =	sor.u32 $0xD0000000, s2;
	s6 =	simm.s32 $0x108;
	_ =	swait.ge @!p0 [sflag:s8], $0x0  }
0x24: {  	s3 =	sadd.s32 $0x88, s3;
	s6 =	simm.s32 @!p1 $0x1082;
	[sflag:s4] =	ssyncset.s32 $0xFFFFF086  }
0x25: {  	[simem:s6], [sflag:s4] =	dma.local [hbm:s3], $0xF7A  }
0x26: {  	[smem:$0x3F95] =	sst s1;
	(tag) =	ssettag s2;
	_ =	strace s9  }
0x27: {  	s1 =	sld [smem:$0x3FA5]  }
0x28: {  	s2 =	sld [smem:$0x3FA6]  }
0x29: {  	s4 =	sld [smem:$0x3FA8]  }
0x2a: {  	p0 =	seq.s32 s5, $0x0;
	s5 =	sld [smem:$0x3FA9]  }
0x2b: {  	s6 =	sld [smem:$0x3FAA]  }
0x2c: {  	s7 =	sld [smem:$0x3FAB]  }
0x2d: {  	s3 =	simm.s32 $0x108;
	s8 =	sld [smem:$0x3FAC]  }
0x2e: {  	s3 =	simm.s32 @!p0 $0x1082;
	s9 =	sld [smem:$0x3FAD]  }
0x2f: {  	lr =	sadd.s32 s0, s3;
	s0 =	sld [smem:$0x3FA4]  }
0x30: {  	s3 =	sld [smem:$0x3FA7]  }
0x31: {  	[smem:$0x3FB0] =	sst s10  }
0x32: {  	s10 =	sld [smem:$0x3FAE];
	_ =	sdelay $0x3  }
0x33: {  	p0 =	seq.s32 s10, $0x1;
	s10 =	sld [smem:$0x3FB0];
	_ =	sdelay $0x3  }
0x34: {  	[smem:$0x3FB0] =	sst s10  }
0x35: {  	s10 =	sld [smem:$0x3FAF];
	_ =	sdelay $0x3  }
0x36: {  	p1 =	seq.s32 s10, $0x1;
	s10 =	sld [smem:$0x3FB0];
	_ =	sdelay $0x3  }
0x37: {  	[smem:$0x3FB0] =	sst s10  }
0x38: {  	s10 =	sld [smem:$0x3FB1]  }
0x39: {  	_ = 	snop;
	(pc) =	sbr.ind lr, $3  }
0x3a: {  	_ = 	snop  }
0x3b: {  	_ = 	snop  }
0x3c: {  	p2 =	seq.s32 s10, $0x1;
	s10 =	sld [smem:$0x3FB0]  }
0x3d: {  	_ =	shalt  }
0x3e: {  	_ =	shalt  }
0x3f: {  	_ =	shalt  }
0x40: {  	_ =	shalt  }
0x41: {  	_ =	shalt  }
0x42: {  	_ =	shalt  }
0x43: {  	_ =	shalt  }
0x44: {  	_ =	shalt  }
0x45: {  	_ =	shalt  }
0x46: {  	_ =	shalt  }
0x47: {  	_ =	shalt  }
0x48: {  	_ =	shalt  }
0x49: {  	_ =	shalt  }
0x4a: {  	_ =	shalt  }
0x4b: {  	_ =	shalt  }
0x4c: {  	_ =	shalt  }
0x4d: {  	_ =	shalt  }
0x4e: {  	_ =	shalt  }
0x4f: {  	_ =	shalt  }
0x50: {  	_ =	shalt  }
0x51: {  	_ =	shalt  }
0x52: {  	_ =	shalt  }
0x53: {  	_ =	shalt  }
0x54: {  	_ =	shalt  }
0x55: {  	_ =	shalt  }
0x56: {  	_ =	shalt  }
0x57: {  	_ =	shalt  }
0x58: {  	_ =	shalt  }
0x59: {  	_ =	shalt  }
0x5a: {  	_ =	shalt  }
0x5b: {  	_ =	shalt  }
0x5c: {  	_ =	shalt  }
0x5d: {  	_ =	shalt  }
0x5e: {  	_ =	shalt  }
0x5f: {  	_ =	shalt  }
0x60: {  	_ =	shalt  }
0x61: {  	_ =	shalt  }
0x62: {  	_ =	shalt  }
0x63: {  	_ =	shalt  }
0x64: {  	_ =	shalt  }
0x65: {  	_ =	shalt  }
0x66: {  	_ =	shalt  }
0x67: {  	_ =	shalt  }
0x68: {  	_ =	shalt  }
0x69: {  	_ =	shalt  }
0x6a: {  	_ =	shalt  }
0x6b: {  	_ =	shalt  }
0x6c: {  	_ =	shalt  }
0x6d: {  	_ =	shalt  }
0x6e: {  	_ =	shalt  }
0x6f: {  	_ =	shalt  }
0x70: {  	_ =	shalt  }
0x71: {  	_ =	shalt  }
0x72: {  	_ =	shalt  }
0x73: {  	_ =	shalt  }
0x74: {  	_ =	shalt  }
0x75: {  	_ =	shalt  }
0x76: {  	_ =	shalt  }
0x77: {  	_ =	shalt  }
0x78: {  	_ =	shalt  }
0x79: {  	_ =	shalt  }
0x7a: {  	_ =	shalt  }
0x7b: {  	_ =	shalt  }
0x7c: {  	_ =	shalt  }
0x7d: {  	_ =	shalt  }
0x7e: {  	_ =	shalt  }
0x7f: {  	_ =	shalt  }
0x80: {  	_ =	shalt  }
0x81: {  	_ =	shalt  }
0x82: {  	_ =	shalt  }
0x83: {  	_ =	shalt  }
0x84: {  	_ =	shalt  }
0x85: {  	_ =	shalt  }
0x86: {  	_ =	shalt  }
0x87: {  	_ =	shalt  }
.Lfunc_end0:
.L_simem_size_0:
called_computation_lowered:
.L_overlay_start_0:
0x88: {  	s2 =	sld [smem:$0x3FD9]  }
0x89: {  	s3 =	sld [smem:$0x3FFE];
	_ =	sdelay $0x1  }
0x8a: {  	s1 =	srdreg.scid  }
0x8b: {  	s0 =	sand.u32 $0x1, s1  }
0x8c: {  	s17 =	sshll.u32 s0, $0xA;
	s2 =	sadd.s32 s3, s2  }
0x8d: {  	s2 =	sadd.s32 s2, s17  }
0x8e: {  	[smem:$0x3FBC] =	sst s2  }
0x8f: {  	_ = 	snop  }
0x90: {  	s2 =	sld [smem:$0x3FC7]  }
0x91: {  	s18 =	sld [smem:$0x3FC6]  }
0x92: {  	s4 =	sld [smem:$0x3FD0];
	(tm) =	ssettm $0x1  }
0x93: {  	s5 =	sld [smem:$0x3FFB];
	_ =	sdelay $0x3  }
0x94: {  	_ =	strace s5  }
0x95: {  	s5 =	sld [smem:$0x3FFC];
	_ =	sdelay $0x3  }
0x96: {  	_ =	strace s5  }
0x97: {  	s5 =	sld [smem:$0x3FFD];
	_ =	sdelay $0x3  }
0x98: {  	_ =	strace s5  }
0x99: {  	_ =	strace $0x8FFFFFFF  }
0x9a: {  	s19 =	sld [smem:$0x3FDB];
	_ =	sdelay $0x1  }
0x9b: {  	s6 =	simm.s32 $_scs_section_size  }
0x9c: {  	s7 =	simm.s32 $_size__tile_overlayer_lowered;
	s8 =	simm.s32 $_tile_overlayer_lowered  }
0x9d: {  	s22 =	simm.s32 $0x1BFF;
	s21 =	sshll.u32 s8, $0x1;
	s5 =	sadd.s32 s6, s19  }
0x9e: {  	s9 =	simm.s32 $0x0;
	s20 =	sshll.u32 s7, $0x1;
	s7 =	sadd.s32 s21, s5  }
0x9f: {  	[timem:s9], [sflag:s22] =	dma.local [hbm:s7], s20  }
0xa0: {  	_ =	swait.ge [sflag:s22], s20  }
0xa1: {  	s6 =	ssub.s32 $0x0, s20;
	[sflag:s22] =	ssyncset.done $0x0  }
0xa2: {  	[sflag:s22] =	ssyncadd.s32 s6;
	_ =	sdelay $0x1  }
0xa3: {  	s23 =	simm.s32 $0x1B8B  }
0xa4: {  	_ =	swait.ge [sflag:s23], $0x1  }
0xa5: {  	[sflag:s23] =	ssyncset.done $0x0  }
0xa6: {  	s25 =	simm.s32 $0x1B8E;
	s24 =	sld [smem:$0x3FFE];
	[sflag:s23] =	ssyncadd.s32 $0xFFFFFFFF  }
0xa7: {  	s26 =	simm.s32 $execute0_lowered;
	[smem:$0x3FD2] =	sst s25  }
0xa8: {  	s7 =	sshll.u32 s26, $0x1;
	_ =	strace $0x80000046;
	[dreg:$0x1] =	wrdreg $0xFFFFFFFF  }
0xa9: {  	s28 =	simm.s32 $_size_execute0_lowered;
	s5 =	sadd.s32 s5, s7;
	[dreg:$0x0] =	wrdreg $0x0  }
0xaa: {  	s7 =	sshll.u32 s28, $0x1;
	[dreg:$0x2] =	wrdreg s5  }
0xab: {  	[dreg:$0x3] =	wrdreg s7  }
0xac: {  	[dreg:$0x4] =	wrdreg $0xC0  }
0xad: {  	_ =	task [dreg:s9], $0x5FFFF  }
0xae: {  	[dreg:$0x1] =	wrdreg $0xFFFFFFFF  }
0xaf: {  	[dreg:$0x0] =	wrdreg $0x60  }
0xb0: {  	[dreg:$0x2] =	wrdreg s24  }
0xb1: {  	[dreg:$0x3] =	wrdreg s4  }
0xb2: {  	[dreg:$0x4] =	wrdreg s2  }
0xb3: {  	[dreg:$0x5] =	wrdreg s18  }
0xb4: {  	[dreg:$0x6] =	wrdreg $0x9  }
0xb5: {  	_ =	task.clear_ibuf [dreg:s9], $0x7FFFF;
	_ =	strace $0x90000046  }
0xb6: {  	s29 =	simm.s32 $0x9;
	_ =	strace $0x80000048  }
0xb7: {  	_ =	swait.ge [sflag:s29], $0x1  }
0xb8: {  	[sflag:s29] =	ssyncadd.s32 $0xFFFFFFFF  }
0xb9: {  	_ =	strace $0x90000048  }
0xba: {  	_ =	sfence  }
0xbb: {  	s30 =	sld [smem:$0x0];
	_ =	sdelay $0x2  }
0xbc: {  	s31 =	sshll.u32 s1, $0xD;
	s1 =	sshrl.u32 s1, $0x2  }
0xbd: {  	s3 =	sand.u32 $0x4000, s31;
	s1 =	sadd.s32 s1, s30  }
0xbe: {  	s0 =	sor.u32 s3, s0;
	s1 =	sshll.u32 s1, $0x11  }
0xbf: {  	s0 =	sor.u32 s1, s0  }
0xc0: {  	s0 =	sadd.s32 $0x8F2B, s0  }
0xc1: {  	[sflag:s0] =	ssyncadd.remote.s32 $0x1  }
0xc2: {  	_ =	sfence.sel $0xFFFF  }
0xc3: {  	[dreg:$0x0] =	wrdreg $0xFFFFFFFF;
	(pc) =	sbr.abs _section_cstart, $3  }
0xc4: {  	[dreg:$0x1] =	wrdreg $0xFFFFFFFF  }
0xc5: {  	_ =	task.clear_ibuf [dreg:s9], $0x2FFFF;
	_ =	strace $0x9FFFFFFF  }
0xc6: {  	(tm) =	ssettm $0x7FFFFFFF  }
0xc7: {  	_ =	shalt  }
tec
execute0_lowered:
.L_overlay_start_1:
0x0: {  	(tag) =	ssettag $0x1  }
0x1: {  	s11 =	rddreg [dreg:$0x0];
	s1 =	srdreg.scid  }
0x2: {  	s12 =	rddreg [dreg:$0x1];
	s0 =	stileid.u32;
	s13 =	sand.u32 $0x1, s1  }
0x3: {  	s2 =	rddreg [dreg:$0x2];
	s29 =	sshll.u32 s0, $0x9;
	s4 =	sshll.u32 s13, $0x8  }
0x4: {  	s3 =	rddreg [dreg:$0x3];
	s14 =	sor.u32 s4, s29  }
0x5: {  	s1 =	rddreg [dreg:$0x4];
	s4 =	simm.s32 $0x0;
	s15 =	sshrl.u32 s14, $0x3  }
0x6: {  	[smem:$0x7FF] =	sst s4;
	s5 =	sadd.s32 s15, s11  }
0x7: {  	_ =	strace $0x80000047;
	s6 =	sadd.s32 $0x2800, s5;
	s5 =	simm.s32 $0x2  }
0x8: {  	[tilespmem:s4], [sflag:$0x2] =	stream.linear.gather [hbm4b:s6+s4], $0x100, $0x38;
	[tilespmem:$0x8100] =	vst v63  }
0x9: {  	_ =	swait.ge [sflag:s5], $0x100  }
0xa: {  	[sflag:s5] =	ssyncset.done $0x0  }
0xb: {  	s7 =	simm.s32 $0x80;
	s8 =	simm.s32 $0x100;
	[sflag:s5] =	ssyncadd.s32 $0xFFFFFF00  }
0xc: {  	[tilespmem:s8], [sflag:$0x1] =	stream.indirect.gather [hbm4b:s2+s7], $0x80, s4, s7, $0xb8;
	[tilespmem:$0x8100] =	vst v63  }
0xd: {  	s9 =	simm.s32 $0x4100;
	s10 =	simm.s32 $0x1  }
0xe: {  	[tilespmem:s9], [sflag:$0x1] =	stream.indirect.gather [hbm4b:s2+s7], $0x80, s7, s7, $0xb8;
	[tilespmem:$0x8100] =	vst v63  }
0xf: {  	_ =	swait.ge [sflag:s10], $0x4000  }
0x10: {  	[sflag:s10] =	ssyncset.done $0x0  }
0x11: {  	[sflag:s10] =	ssyncadd.s32 $0xFFFFC000  }
0x12: {  	s14 =	sshll.u32 s14, $0x4;
	_ =	swait.ge [sflag:s10], $0x4000  }
0x13: {  	s14 =	sadd.s32 s14, s11;
	[sflag:s10] =	ssyncset.done $0x0  }
0x14: {  	s11 =	sadd.s32 $0x3400, s14;
	[sflag:s10] =	ssyncadd.s32 $0xFFFFC000  }
0x15: {  	[hbm4b:s11+s4] =	stream.linear.scatter [tilespmem:s8], [sflag:$0x2], $0x8000, $0x38;
	[tilespmem:$0x8100] =	vst v63  }
0x16: {  	_ =	swait.ge [sflag:s5], $0x8000  }
0x17: {  	[sflag:s5] =	ssyncset.done $0x0  }
0x18: {  	s12 =	sadd.s32 s12, s15;
	[sflag:s5] =	ssyncadd.s32 $0xFFFF8000  }
0x19: {  	[tilespmem:s4], [sflag:$0x2] =	stream.linear.gather [hbm4b:s12+s4], $0x100, $0x38;
	[tilespmem:$0x8100] =	vst v63  }
0x1a: {  	_ =	swait.ge [sflag:s5], $0x100  }
0x1b: {  	[sflag:s5] =	ssyncset.done $0x0  }
0x1c: {  	[sflag:s5] =	ssyncadd.s32 $0xFFFFFF00  }
0x1d: {  	[tilespmem:s8], [sflag:$0x1] =	stream.indirect.gather [hbm4b:s3+s7], $0x80, s4, s7, $0xb8;
	[tilespmem:$0x8100] =	vst v63  }
0x1e: {  	s13 =	ssub.s32 $0x2, s13  }
0x1f: {  	[tilespmem:s9], [sflag:$0x1] =	stream.indirect.gather [hbm4b:s3+s7], $0x80, s7, s7, $0xb8;
	[tilespmem:$0x8100] =	vst v63  }
0x20: {  	s30 =	sshrl.u32 s13, $0x1;
	_ =	swait.ge [sflag:s10], $0x4000  }
0x21: {  	s15 =	ssub.s32 s13, s30;
	[sflag:s10] =	ssyncset.done $0x0  }
0x22: {  	s31 =	smax.u32 s15, $0x1;
	[sflag:s10] =	ssyncadd.s32 $0xFFFFC000  }
0x23: {  	p0 =	sne.s32 s31, $0x1;
	_ =	swait.ge [sflag:s10], $0x4000  }
.Ltmp0:
0x24: {  	[sflag:s10] =	ssyncset.done $0x0;
	(pc) =	sbr.rel @!p0 .LBB2_2-.Ltmp0, $4  }
0x25: {  	s13 =	sadd.s32 $0x23400, s14;
	[sflag:s10] =	ssyncadd.s32 $0xFFFFC000  }
0x26: {  	[hbm4b:s13+s4] =	stream.linear.scatter [tilespmem:s8], [sflag:$0x2], $0x8000, $0x38;
	[tilespmem:$0x8100] =	vst v63  }
0x27: {  	_ =	swait.ge [sflag:s5], $0x8000  }
0x28: {  	s14 =	sadd.s32 $0xFFFFFFFF, s31;
	[sflag:s5] =	ssyncset.done $0x0  }
.LBB2_1:
0x29: {  	p0 =	sne.s32 s14, $0x1;
	s14 =	sadd.s32 $0xFFFFFFFF, s14;
	[sflag:s5] =	ssyncadd.s32 $0xFFFF8000  }
0x2a: {  	[tilespmem:s4], [sflag:$0x2] =	stream.linear.gather [hbm4b:s6+s4], $0x100, $0x38;
	[tilespmem:$0x8100] =	vst v63  }
0x2b: {  	_ =	swait.ge [sflag:s5], $0x100  }
0x2c: {  	[sflag:s5] =	ssyncset.done $0x0  }
0x2d: {  	[sflag:s5] =	ssyncadd.s32 $0xFFFFFF00  }
0x2e: {  	[tilespmem:s8], [sflag:$0x1] =	stream.indirect.gather [hbm4b:s2+s7], $0x80, s4, s7, $0xb8;
	[tilespmem:$0x8100] =	vst v63  }
0x2f: {  	_ = 	snop  }
0x30: {  	[tilespmem:s9], [sflag:$0x1] =	stream.indirect.gather [hbm4b:s2+s7], $0x80, s7, s7, $0xb8;
	[tilespmem:$0x8100] =	vst v63  }
0x31: {  	_ =	swait.ge [sflag:s10], $0x4000  }
0x32: {  	[sflag:s10] =	ssyncset.done $0x0  }
0x33: {  	[sflag:s10] =	ssyncadd.s32 $0xFFFFC000  }
0x34: {  	_ =	swait.ge [sflag:s10], $0x4000  }
0x35: {  	[sflag:s10] =	ssyncset.done $0x0  }
0x36: {  	[sflag:s10] =	ssyncadd.s32 $0xFFFFC000  }
0x37: {  	[hbm4b:s11+s4] =	stream.linear.scatter [tilespmem:s8], [sflag:$0x2], $0x8000, $0x38;
	[tilespmem:$0x8100] =	vst v63  }
0x38: {  	_ =	swait.ge [sflag:s5], $0x8000  }
0x39: {  	[sflag:s5] =	ssyncset.done $0x0  }
0x3a: {  	[sflag:s5] =	ssyncadd.s32 $0xFFFF8000  }
0x3b: {  	[tilespmem:s4], [sflag:$0x2] =	stream.linear.gather [hbm4b:s12+s4], $0x100, $0x38;
	[tilespmem:$0x8100] =	vst v63  }
0x3c: {  	_ =	swait.ge [sflag:s5], $0x100  }
0x3d: {  	[sflag:s5] =	ssyncset.done $0x0  }
0x3e: {  	[sflag:s5] =	ssyncadd.s32 $0xFFFFFF00  }
0x3f: {  	[tilespmem:s8], [sflag:$0x1] =	stream.indirect.gather [hbm4b:s3+s7], $0x80, s4, s7, $0xb8;
	[tilespmem:$0x8100] =	vst v63  }
0x40: {  	_ = 	snop  }
0x41: {  	[tilespmem:s9], [sflag:$0x1] =	stream.indirect.gather [hbm4b:s3+s7], $0x80, s7, s7, $0xb8;
	[tilespmem:$0x8100] =	vst v63  }
0x42: {  	_ =	swait.ge [sflag:s10], $0x4000  }
0x43: {  	[sflag:s10] =	ssyncset.done $0x0  }
0x44: {  	[sflag:s10] =	ssyncadd.s32 $0xFFFFC000  }
0x45: {  	_ =	swait.ge [sflag:s10], $0x4000  }
.Ltmp1:
0x46: {  	[sflag:s10] =	ssyncset.done $0x0;
	(pc) =	sbr.rel @p0 .LBB2_1-.Ltmp1, $4  }
0x47: {  	[sflag:s10] =	ssyncadd.s32 $0xFFFFC000  }
0x48: {  	[hbm4b:s13+s4] =	stream.linear.scatter [tilespmem:s8], [sflag:$0x2], $0x8000, $0x38;
	[tilespmem:$0x8100] =	vst v63  }
0x49: {  	_ =	swait.ge [sflag:s5], $0x8000  }
0x4a: {  	[sflag:s5] =	ssyncset.done $0x0  }
.LBB2_2:
0x4b: {  	[sflag:s5] =	ssyncadd.s32 $0xFFFF8000  }
0x4c: {  	_ =	sfence.sel $0x180000  }
0x4d: {  	[bflag:$0x0] =	sbarrier.arrive $0xFFFF  }
0x4e: {  	p0 =	sne.s32 s0, $0x0;
	_ =	strace $0x90000047  }
0x4f: {  	s0 =	sadd.s32 @!p0 $0x100000, s1;
	[bflag:$0x2] =	sbarrier.arrive $0xFFFF  }
0x50: {  	[sflag:s0] =	ssyncadd.tile.s32 @!p0 $0x1;
	_ =	shalt  }
.Lfunc_end2:
_tile_overlayer_lowered:
.L_overlay_start_2:
0x51: {  	(tag) =	ssettag $0x2  }
0x52: {  	s0 =	rddreg [dreg:$0x0];
	s2 =	stileid.u32  }
0x53: {  	s1 =	rddreg [dreg:$0x1];
	p0 =	sne.s32 s2, $0x0  }
0x54: {  	s3 =	rddreg [dreg:$0x2];
	[bflag:$0x3] =	sbarrier.arrive $0xFFFF;
	s2 =	simm.s32 @!p0 $0x1C02  }
0x55: {  	[timem:s3], [sflag:s2] =	dma.local @!p0 [hbm:s0], s1  }
0x56: {  	s0 =	simm.s32 @!p0 $0x2  }
0x57: {  	_ =	swait.ge @!p0 [sflag:s0], s1  }
0x58: {  	s1 =	ssub.s32 @!p0 $0x0, s1;
	[sflag:s0] =	ssyncset.done @!p0 $0x0  }
0x59: {  	[sflag:s0] =	ssyncadd.s32 @!p0 s1  }
0x5a: {  	[bflag:$0x3] =	sbarrier.arrive $0xFFFF  }
0x5b: {  	_ =	shalt  }

// kernel: kernel.9.cloned.1.call-start
scs
__scs_entry_jumppad:
0x0: {  	(pc) =	sbr.rel $0x88, $3  }
0x1: {  	(tag) =	ssettag $0x0;
	lr =	simm.s32 $0x1  }
0x2: {  	[smem:$0x3F95] =	sst lr;
	_ =	strace $0xD0000000  }
0x3: {  	_ = 	snop  }
0x4: {  	_ = 	snop  }
0x5: {  	_ = 	snop  }
0x6: {  	_ = 	snop  }
0x7: {  	_ = 	snop  }
__scs_overlays_trampoline_lowered:
0x8: {  	[smem:$0x3FA4] =	sst s0  }
0x9: {  	[smem:$0x3FA5] =	sst s1  }
0xa: {  	[smem:$0x3FA6] =	sst s2  }
0xb: {  	[smem:$0x3FA7] =	sst s3  }
0xc: {  	[smem:$0x3FA8] =	sst s4  }
0xd: {  	[smem:$0x3FA9] =	sst s5  }
0xe: {  	[smem:$0x3FAA] =	sst s6  }
0xf: {  	[smem:$0x3FAB] =	sst s7  }
0x10: {  	[smem:$0x3FAC] =	sst s8  }
0x11: {  	[smem:$0x3FAD] =	sst s9;
	s0 =	simm.s32 @!p0 $0x0  }
0x12: {  	s1 =	sld [smem:$0x3F93];
	s0 =	simm.s32 @p0 $0x1  }
0x13: {  	[smem:$0x3FAE] =	sst s0;
	s0 =	simm.s32 @!p1 $0x0  }
0x14: {  	s2 =	sld [smem:$0x3F92];
	s0 =	simm.s32 @p1 $0x1  }
0x15: {  	[smem:$0x3FAF] =	sst s0;
	s0 =	simm.s32 @!p2 $0x0  }
0x16: {  	s3 =	sld [smem:$0x3FDB];
	s0 =	simm.s32 @p2 $0x1  }
0x17: {  	s4 =	simm.s32 $0x1BF5;
	[smem:$0x3FB1] =	sst s0  }
0x18: {  	s0 =	sld [smem:$0x3F94];
	_ =	swait.ge [sflag:s4], $0x0  }
0x19: {  	s7 =	sld [smem:$0x3F95]  }
0x1a: {  	s8 =	sadd.s32 $0xFFFFE003, lr  }
0x1b: {  	s9 =	sadd.s32 $0xFFFFFEF7, lr;
	s5 =	simm.s32 $0xFFFFFFFF;
	p2 =	slt.u32 s8, $0xFFFFF086  }
0x1c: {  	p1 =	slt.u32 s9, $0xF7A;
	s5 =	simm.s32 @!p2 $0x0  }
0x1d: {  	s5 =	simm.s32 @p1 $0x1;
	p0 =	seq.s32 s7, s2  }
0x1e: {  	s7 =	smul.u32 @!p0 $0xF7A, s2;
	p2 =	seq.s32 @!p0 s5, $0x0  }
0x1f: {  	s9 =	smul.u32 $0xF7A, s1;
	s8 =	simm.s32 @!p0 $0x1BF5;
	p2 =	por !p2, p0  }
0x20: {  	[sflag:s8] =	ssyncset.s32 @!p0 $0xFFFFF086;
	s6 =	sadd.s32 @!p0 s3, s7;
	s7 =	simm.s32 @!p0 $0x108  }
0x21: {  	s3 =	sadd.s32 s3, s9;
	s6 =	sadd.s32 @!p0 $0x88, s6;
	s7 =	simm.s32 @p2 $0x1082  }
0x22: {  	[simem:s7], [sflag:s8] =	dma.local @!p0 [hbm:s6], $0xF7A  }
0x23: {  	s9 =	sor.u32 $0xD0000000, s2;
	s6 =	simm.s32 $0x108;
	_ =	swait.ge @!p0 [sflag:s8], $0x0  }
0x24: {  	s3 =	sadd.s32 $0x88, s3;
	s6 =	simm.s32 @!p1 $0x1082;
	[sflag:s4] =	ssyncset.s32 $0xFFFFF086  }
0x25: {  	[simem:s6], [sflag:s4] =	dma.local [hbm:s3], $0xF7A  }
0x26: {  	[smem:$0x3F95] =	sst s1;
	(tag) =	ssettag s2;
	_ =	strace s9  }
0x27: {  	s1 =	sld [smem:$0x3FA5]  }
0x28: {  	s2 =	sld [smem:$0x3FA6]  }
0x29: {  	s4 =	sld [smem:$0x3FA8]  }
0x2a: {  	p0 =	seq.s32 s5, $0x0;
	s5 =	sld [smem:$0x3FA9]  }
0x2b: {  	s6 =	sld [smem:$0x3FAA]  }
0x2c: {  	s7 =	sld [smem:$0x3FAB]  }
0x2d: {  	s3 =	simm.s32 $0x108;
	s8 =	sld [smem:$0x3FAC]  }
0x2e: {  	s3 =	simm.s32 @!p0 $0x1082;
	s9 =	sld [smem:$0x3FAD]  }
0x2f: {  	lr =	sadd.s32 s0, s3;
	s0 =	sld [smem:$0x3FA4]  }
0x30: {  	s3 =	sld [smem:$0x3FA7]  }
0x31: {  	[smem:$0x3FB0] =	sst s10  }
0x32: {  	s10 =	sld [smem:$0x3FAE];
	_ =	sdelay $0x3  }
0x33: {  	p0 =	seq.s32 s10, $0x1;
	s10 =	sld [smem:$0x3FB0];
	_ =	sdelay $0x3  }
0x34: {  	[smem:$0x3FB0] =	sst s10  }
0x35: {  	s10 =	sld [smem:$0x3FAF];
	_ =	sdelay $0x3  }
0x36: {  	p1 =	seq.s32 s10, $0x1;
	s10 =	sld [smem:$0x3FB0];
	_ =	sdelay $0x3  }
0x37: {  	[smem:$0x3FB0] =	sst s10  }
0x38: {  	s10 =	sld [smem:$0x3FB1]  }
0x39: {  	_ = 	snop;
	(pc) =	sbr.ind lr, $3  }
0x3a: {  	_ = 	snop  }
0x3b: {  	_ = 	snop  }
0x3c: {  	p2 =	seq.s32 s10, $0x1;
	s10 =	sld [smem:$0x3FB0]  }
0x3d: {  	_ =	shalt  }
0x3e: {  	_ =	shalt  }
0x3f: {  	_ =	shalt  }
0x40: {  	_ =	shalt  }
0x41: {  	_ =	shalt  }
0x42: {  	_ =	shalt  }
0x43: {  	_ =	shalt  }
0x44: {  	_ =	shalt  }
0x45: {  	_ =	shalt  }
0x46: {  	_ =	shalt  }
0x47: {  	_ =	shalt  }
0x48: {  	_ =	shalt  }
0x49: {  	_ =	shalt  }
0x4a: {  	_ =	shalt  }
0x4b: {  	_ =	shalt  }
0x4c: {  	_ =	shalt  }
0x4d: {  	_ =	shalt  }
0x4e: {  	_ =	shalt  }
0x4f: {  	_ =	shalt  }
0x50: {  	_ =	shalt  }
0x51: {  	_ =	shalt  }
0x52: {  	_ =	shalt  }
0x53: {  	_ =	shalt  }
0x54: {  	_ =	shalt  }
0x55: {  	_ =	shalt  }
0x56: {  	_ =	shalt  }
0x57: {  	_ =	shalt  }
0x58: {  	_ =	shalt  }
0x59: {  	_ =	shalt  }
0x5a: {  	_ =	shalt  }
0x5b: {  	_ =	shalt  }
0x5c: {  	_ =	shalt  }
0x5d: {  	_ =	shalt  }
0x5e: {  	_ =	shalt  }
0x5f: {  	_ =	shalt  }
0x60: {  	_ =	shalt  }
0x61: {  	_ =	shalt  }
0x62: {  	_ =	shalt  }
0x63: {  	_ =	shalt  }
0x64: {  	_ =	shalt  }
0x65: {  	_ =	shalt  }
0x66: {  	_ =	shalt  }
0x67: {  	_ =	shalt  }
0x68: {  	_ =	shalt  }
0x69: {  	_ =	shalt  }
0x6a: {  	_ =	shalt  }
0x6b: {  	_ =	shalt  }
0x6c: {  	_ =	shalt  }
0x6d: {  	_ =	shalt  }
0x6e: {  	_ =	shalt  }
0x6f: {  	_ =	shalt  }
0x70: {  	_ =	shalt  }
0x71: {  	_ =	shalt  }
0x72: {  	_ =	shalt  }
0x73: {  	_ =	shalt  }
0x74: {  	_ =	shalt  }
0x75: {  	_ =	shalt  }
0x76: {  	_ =	shalt  }
0x77: {  	_ =	shalt  }
0x78: {  	_ =	shalt  }
0x79: {  	_ =	shalt  }
0x7a: {  	_ =	shalt  }
0x7b: {  	_ =	shalt  }
0x7c: {  	_ =	shalt  }
0x7d: {  	_ =	shalt  }
0x7e: {  	_ =	shalt  }
0x7f: {  	_ =	shalt  }
0x80: {  	_ =	shalt  }
0x81: {  	_ =	shalt  }
0x82: {  	_ =	shalt  }
0x83: {  	_ =	shalt  }
0x84: {  	_ =	shalt  }
0x85: {  	_ =	shalt  }
0x86: {  	_ =	shalt  }
0x87: {  	_ =	shalt  }
.Lfunc_end0:
.L_simem_size_0:
called_computation.1_lowered:
.L_overlay_start_0:
0x88: {  	s2 =	sld [smem:$0x3FD9]  }
0x89: {  	s3 =	sld [smem:$0x3FFE];
	_ =	sdelay $0x1  }
0x8a: {  	s1 =	srdreg.scid  }
0x8b: {  	s0 =	sand.u32 $0x1, s1  }
0x8c: {  	s17 =	sshll.u32 s0, $0xA;
	s2 =	sadd.s32 s3, s2  }
0x8d: {  	s2 =	sadd.s32 s2, s17  }
0x8e: {  	[smem:$0x3FBC] =	sst s2  }
0x8f: {  	_ = 	snop  }
0x90: {  	s18 =	sld [smem:$0x3FC7]  }
0x91: {  	s4 =	sld [smem:$0x3FC6];
	(tm) =	ssettm $0x1  }
0x92: {  	s19 =	sld [smem:$0x3FFB];
	_ =	sdelay $0x3  }
0x93: {  	_ =	strace s19  }
0x94: {  	s2 =	sld [smem:$0x3FFC];
	_ =	sdelay $0x3  }
0x95: {  	_ =	strace s2  }
0x96: {  	s2 =	sld [smem:$0x3FFD];
	_ =	sdelay $0x3  }
0x97: {  	_ =	strace s2  }
0x98: {  	_ =	strace $0x8FFFFFFF  }
0x99: {  	s20 =	sld [smem:$0x3FDB];
	_ =	sdelay $0x1  }
0x9a: {  	s5 =	simm.s32 $_scs_section_size  }
0x9b: {  	s6 =	simm.s32 $_size__tile_overlayer_lowered;
	s7 =	simm.s32 $_tile_overlayer_lowered  }
0x9c: {  	s8 =	simm.s32 $0x1BFF;
	s21 =	sshll.u32 s7, $0x1;
	s5 =	sadd.s32 s5, s20  }
0x9d: {  	s22 =	simm.s32 $0x0;
	s6 =	sshll.u32 s6, $0x1;
	s7 =	sadd.s32 s21, s5  }
0x9e: {  	[timem:s22], [sflag:s8] =	dma.local [hbm:s7], s6  }
0x9f: {  	_ =	swait.ge [sflag:s8], s6  }
0xa0: {  	s6 =	ssub.s32 $0x0, s6;
	[sflag:s8] =	ssyncset.done $0x0  }
0xa1: {  	[sflag:s8] =	ssyncadd.s32 s6;
	_ =	sdelay $0x1  }
0xa2: {  	s23 =	simm.s32 $0x1B8B  }
0xa3: {  	_ =	swait.ge [sflag:s23], $0x1  }
0xa4: {  	[sflag:s23] =	ssyncset.done $0x0  }
0xa5: {  	[sflag:s23] =	ssyncadd.s32 $0xFFFFFFFF  }
0xa6: {  	s6 =	sld [smem:$0x0]  }
0xa7: {  	s7 =	sand.u32 $0xFFFFFFFE, s1  }
0xa8: {  	p0 =	sne.s32 s1, s7  }
0xa9: {  	s7 =	sshll.u32 @p0 s7, $0xE  }
0xaa: {  	s7 =	sadd.s32 @p0 $0x11B8D, s7;
	s8 =	sshll.u32 @p0 s6, $0x11  }
0xab: {  	s7 =	sor.u32 @p0 s8, s7  }
0xac: {  	[sflag:s7] =	ssyncadd.remote.s32 @p0 $0x1;
	_ =	sdelay $0x1  }
0xad: {  	s7 =	simm.s32 @p0 $0x1B8D  }
0xae: {  	_ =	swait.eq @p0 [sflag:s7], $0x1  }
0xaf: {  	[sflag:s7] =	ssyncadd.s32 @p0 $0xFFFFFFFF  }
0xb0: {  	s8 =	sshll.u32 @!p0 s1, $0xE  }
0xb1: {  	s8 =	sor.u32 @!p0 $0x4000, s8;
	s7 =	simm.s32 @!p0 $0x1B8D  }
0xb2: {  	s6 =	sshll.u32 @!p0 s6, $0x11;
	s8 =	sadd.s32 @!p0 $0x11B8D, s8;
	_ =	swait.eq @!p0 [sflag:s7], $0x1  }
0xb3: {  	s6 =	sor.u32 @!p0 s6, s8;
	[sflag:s7] =	ssyncadd.s32 @!p0 $0xFFFFFFFF  }
0xb4: {  	s25 =	simm.s32 $0x1B8E;
	s24 =	sld [smem:$0x3FFE];
	[sflag:s6] =	ssyncadd.remote.s32 @!p0 $0x1  }
0xb5: {  	s26 =	simm.s32 $execute0_lowered;
	[smem:$0x3FD2] =	sst s25  }
0xb6: {  	s7 =	sshll.u32 s26, $0x1;
	_ =	strace $0x80000049;
	[dreg:$0x1] =	wrdreg $0xFFFFFFFF  }
0xb7: {  	s28 =	simm.s32 $_size_execute0_lowered;
	s5 =	sadd.s32 s5, s7;
	[dreg:$0x0] =	wrdreg $0x0  }
0xb8: {  	s7 =	sshll.u32 s28, $0x1;
	[dreg:$0x2] =	wrdreg s5  }
0xb9: {  	[dreg:$0x3] =	wrdreg s7  }
0xba: {  	[dreg:$0x4] =	wrdreg $0xC0  }
0xbb: {  	_ =	task [dreg:s22], $0x5FFFF  }
0xbc: {  	[dreg:$0x1] =	wrdreg $0xFFFFFFFF  }
0xbd: {  	[dreg:$0x0] =	wrdreg $0x60  }
0xbe: {  	[dreg:$0x2] =	wrdreg s24  }
0xbf: {  	[dreg:$0x3] =	wrdreg s18  }
0xc0: {  	[dreg:$0x4] =	wrdreg s4  }
0xc1: {  	[dreg:$0x5] =	wrdreg $0xA  }
0xc2: {  	_ =	task.clear_ibuf [dreg:s22], $0x6FFFF;
	_ =	strace $0x90000049  }
0xc3: {  	s29 =	simm.s32 $0xA;
	_ =	strace $0x8000004B  }
0xc4: {  	_ =	swait.ge [sflag:s29], $0x1  }
0xc5: {  	[sflag:s29] =	ssyncadd.s32 $0xFFFFFFFF  }
0xc6: {  	_ =	strace $0x9000004B  }
0xc7: {  	_ =	sfence  }
0xc8: {  	s30 =	sld [smem:$0x0];
	_ =	sdelay $0x2  }
0xc9: {  	s31 =	sshll.u32 s1, $0xD;
	s1 =	sshrl.u32 s1, $0x2  }
0xca: {  	s4 =	sand.u32 $0x4000, s31;
	s1 =	sadd.s32 s1, s30  }
0xcb: {  	s0 =	sor.u32 s4, s0;
	s1 =	sshll.u32 s1, $0x11  }
0xcc: {  	s0 =	sor.u32 s1, s0  }
0xcd: {  	s0 =	sadd.s32 $0x8F2B, s0  }
0xce: {  	[sflag:s0] =	ssyncadd.remote.s32 $0x1  }
0xcf: {  	_ =	sfence.sel $0xFFFF  }
0xd0: {  	[dreg:$0x0] =	wrdreg $0xFFFFFFFF;
	(pc) =	sbr.abs _section_cstart, $3  }
0xd1: {  	[dreg:$0x1] =	wrdreg $0xFFFFFFFF  }
0xd2: {  	_ =	task.clear_ibuf [dreg:s22], $0x2FFFF;
	_ =	strace $0x9FFFFFFF  }
0xd3: {  	(tm) =	ssettm $0x7FFFFFFF  }
tec
execute0_lowered:
.L_overlay_start_1:
0x0: {  	(tag) =	ssettag $0x1  }
0x1: {  	s1 =	srdreg.scid  }
0x2: {  	s11 =	rddreg [dreg:$0x0];
	s0 =	stileid.u32;
	s13 =	sand.u32 $0x1, s1  }
0x3: {  	s2 =	rddreg [dreg:$0x1];
	s30 =	sshll.u32 s0, $0x9;
	s4 =	sshll.u32 s13, $0x8  }
0x4: {  	s3 =	rddreg [dreg:$0x2];
	s12 =	sor.u32 s4, s30  }
0x5: {  	s1 =	rddreg [dreg:$0x3];
	s4 =	simm.s32 $0x0;
	s5 =	sshrl.u32 s12, $0x3  }
0x6: {  	[smem:$0x7FF] =	sst s4;
	s14 =	sadd.s32 s5, s11  }
0x7: {  	_ =	strace $0x8000004A;
	s5 =	simm.s32 $0x2;
	s6 =	sadd.s32 $0x3000, s14  }
0x8: {  	[tilespmem:s4], [sflag:$0x2] =	stream.linear.gather [hbm4b:s6+s4], $0x100, $0x38;
	[tilespmem:$0x8100] =	vst v63  }
0x9: {  	_ =	swait.ge [sflag:s5], $0x100  }
0xa: {  	[sflag:s5] =	ssyncset.done $0x0  }
0xb: {  	s7 =	simm.s32 $0x80;
	s8 =	simm.s32 $0x100;
	[sflag:s5] =	ssyncadd.s32 $0xFFFFFF00  }
0xc: {  	[tilespmem:s8], [sflag:$0x1] =	stream.indirect.gather [hbm4b:s2+s7], $0x80, s4, s7, $0xb8;
	[tilespmem:$0x8100] =	vst v63  }
0xd: {  	s9 =	simm.s32 $0x4100;
	s10 =	simm.s32 $0x1  }
0xe: {  	[tilespmem:s9], [sflag:$0x1] =	stream.indirect.gather [hbm4b:s2+s7], $0x80, s7, s7, $0xb8;
	[tilespmem:$0x8100] =	vst v63  }
0xf: {  	_ =	swait.ge [sflag:s10], $0x4000  }
0x10: {  	[sflag:s10] =	ssyncset.done $0x0  }
0x11: {  	[sflag:s10] =	ssyncadd.s32 $0xFFFFC000  }
0x12: {  	s12 =	sshll.u32 s12, $0x4;
	_ =	swait.ge [sflag:s10], $0x4000  }
0x13: {  	s15 =	sadd.s32 s12, s11;
	[sflag:s10] =	ssyncset.done $0x0  }
0x14: {  	s11 =	sadd.s32 $0x43400, s15;
	[sflag:s10] =	ssyncadd.s32 $0xFFFFC000  }
0x15: {  	[hbm4b:s11+s4] =	stream.linear.scatter [tilespmem:s8], [sflag:$0x2], $0x8000, $0x38;
	[tilespmem:$0x8100] =	vst v63  }
0x16: {  	_ =	swait.ge [sflag:s5], $0x8000  }
0x17: {  	[sflag:s5] =	ssyncset.done $0x0  }
0x18: {  	s12 =	sadd.s32 $0x2C00, s14;
	[sflag:s5] =	ssyncadd.s32 $0xFFFF8000  }
0x19: {  	[tilespmem:s4], [sflag:$0x2] =	stream.linear.gather [hbm4b:s12+s4], $0x100, $0x38;
	[tilespmem:$0x8100] =	vst v63  }
0x1a: {  	_ =	swait.ge [sflag:s5], $0x100  }
0x1b: {  	[sflag:s5] =	ssyncset.done $0x0  }
0x1c: {  	[sflag:s5] =	ssyncadd.s32 $0xFFFFFF00  }
0x1d: {  	[tilespmem:s8], [sflag:$0x1] =	stream.indirect.gather [hbm4b:s3+s7], $0x80, s4, s7, $0xb8;
	[tilespmem:$0x8100] =	vst v63  }
0x1e: {  	s13 =	ssub.s32 $0x2, s13  }
0x1f: {  	[tilespmem:s9], [sflag:$0x1] =	stream.indirect.gather [hbm4b:s3+s7], $0x80, s7, s7, $0xb8;
	[tilespmem:$0x8100] =	vst v63  }
0x20: {  	s31 =	sshrl.u32 s13, $0x1;
	_ =	swait.ge [sflag:s10], $0x4000  }
0x21: {  	s14 =	ssub.s32 s13, s31;
	[sflag:s10] =	ssyncset.done $0x0  }
0x22: {  	s14 =	smax.u32 s14, $0x1;
	[sflag:s10] =	ssyncadd.s32 $0xFFFFC000  }
0x23: {  	p0 =	sne.s32 s14, $0x1;
	_ =	swait.ge [sflag:s10], $0x4000  }
.Ltmp0:
0x24: {  	[sflag:s10] =	ssyncset.done $0x0;
	(pc) =	sbr.rel @!p0 .LBB2_2-.Ltmp0, $4  }
0x25: {  	s13 =	sadd.s32 $0x63400, s15;
	[sflag:s10] =	ssyncadd.s32 $0xFFFFC000  }
0x26: {  	[hbm4b:s13+s4] =	stream.linear.scatter [tilespmem:s8], [sflag:$0x2], $0x8000, $0x38;
	[tilespmem:$0x8100] =	vst v63  }
0x27: {  	_ =	swait.ge [sflag:s5], $0x8000  }
0x28: {  	s14 =	sadd.s32 $0xFFFFFFFF, s14;
	[sflag:s5] =	ssyncset.done $0x0  }
.LBB2_1:
0x29: {  	p0 =	sne.s32 s14, $0x1;
	s14 =	sadd.s32 $0xFFFFFFFF, s14;
	[sflag:s5] =	ssyncadd.s32 $0xFFFF8000  }
0x2a: {  	[tilespmem:s4], [sflag:$0x2] =	stream.linear.gather [hbm4b:s6+s4], $0x100, $0x38;
	[tilespmem:$0x8100] =	vst v63  }
0x2b: {  	_ =	swait.ge [sflag:s5], $0x100  }
0x2c: {  	[sflag:s5] =	ssyncset.done $0x0  }
0x2d: {  	[sflag:s5] =	ssyncadd.s32 $0xFFFFFF00  }
0x2e: {  	[tilespmem:s8], [sflag:$0x1] =	stream.indirect.gather [hbm4b:s2+s7], $0x80, s4, s7, $0xb8;
	[tilespmem:$0x8100] =	vst v63  }
0x2f: {  	_ = 	snop  }
0x30: {  	[tilespmem:s9], [sflag:$0x1] =	stream.indirect.gather [hbm4b:s2+s7], $0x80, s7, s7, $0xb8;
	[tilespmem:$0x8100] =	vst v63  }
0x31: {  	_ =	swait.ge [sflag:s10], $0x4000  }
0x32: {  	[sflag:s10] =	ssyncset.done $0x0  }
0x33: {  	[sflag:s10] =	ssyncadd.s32 $0xFFFFC000  }
0x34: {  	_ =	swait.ge [sflag:s10], $0x4000  }
0x35: {  	[sflag:s10] =	ssyncset.done $0x0  }
0x36: {  	[sflag:s10] =	ssyncadd.s32 $0xFFFFC000  }
0x37: {  	[hbm4b:s11+s4] =	stream.linear.scatter [tilespmem:s8], [sflag:$0x2], $0x8000, $0x38;
	[tilespmem:$0x8100] =	vst v63  }
0x38: {  	_ =	swait.ge [sflag:s5], $0x8000  }
0x39: {  	[sflag:s5] =	ssyncset.done $0x0  }
0x3a: {  	[sflag:s5] =	ssyncadd.s32 $0xFFFF8000  }
0x3b: {  	[tilespmem:s4], [sflag:$0x2] =	stream.linear.gather [hbm4b:s12+s4], $0x100, $0x38;
	[tilespmem:$0x8100] =	vst v63  }
0x3c: {  	_ =	swait.ge [sflag:s5], $0x100  }
0x3d: {  	[sflag:s5] =	ssyncset.done $0x0  }
0x3e: {  	[sflag:s5] =	ssyncadd.s32 $0xFFFFFF00  }
0x3f: {  	[tilespmem:s8], [sflag:$0x1] =	stream.indirect.gather [hbm4b:s3+s7], $0x80, s4, s7, $0xb8;
	[tilespmem:$0x8100] =	vst v63  }
0x40: {  	_ = 	snop  }
0x41: {  	[tilespmem:s9], [sflag:$0x1] =	stream.indirect.gather [hbm4b:s3+s7], $0x80, s7, s7, $0xb8;
	[tilespmem:$0x8100] =	vst v63  }
0x42: {  	_ =	swait.ge [sflag:s10], $0x4000  }
0x43: {  	[sflag:s10] =	ssyncset.done $0x0  }
0x44: {  	[sflag:s10] =	ssyncadd.s32 $0xFFFFC000  }
0x45: {  	_ =	swait.ge [sflag:s10], $0x4000  }
.Ltmp1:
0x46: {  	[sflag:s10] =	ssyncset.done $0x0;
	(pc) =	sbr.rel @p0 .LBB2_1-.Ltmp1, $4  }
0x47: {  	[sflag:s10] =	ssyncadd.s32 $0xFFFFC000  }
0x48: {  	[hbm4b:s13+s4] =	stream.linear.scatter [tilespmem:s8], [sflag:$0x2], $0x8000, $0x38;
	[tilespmem:$0x8100] =	vst v63  }
0x49: {  	_ =	swait.ge [sflag:s5], $0x8000  }
0x4a: {  	[sflag:s5] =	ssyncset.done $0x0  }
.LBB2_2:
0x4b: {  	[sflag:s5] =	ssyncadd.s32 $0xFFFF8000  }
0x4c: {  	_ =	sfence.sel $0x180000  }
0x4d: {  	[bflag:$0x0] =	sbarrier.arrive $0xFFFF  }
0x4e: {  	p0 =	sne.s32 s0, $0x0;
	_ =	strace $0x9000004A  }
0x4f: {  	s0 =	sadd.s32 @!p0 $0x100000, s1;
	[bflag:$0x2] =	sbarrier.arrive $0xFFFF  }
0x50: {  	[sflag:s0] =	ssyncadd.tile.s32 @!p0 $0x1;
	_ =	shalt  }
.Lfunc_end2:
_tile_overlayer_lowered:
.L_overlay_start_2:
0x51: {  	(tag) =	ssettag $0x2  }
0x52: {  	s0 =	rddreg [dreg:$0x0];
	s2 =	stileid.u32  }
0x53: {  	s1 =	rddreg [dreg:$0x1];
	p0 =	sne.s32 s2, $0x0  }
0x54: {  	s3 =	rddreg [dreg:$0x2];
	[bflag:$0x3] =	sbarrier.arrive $0xFFFF;
	s2 =	simm.s32 @!p0 $0x1C02  }
0x55: {  	[timem:s3], [sflag:s2] =	dma.local @!p0 [hbm:s0], s1  }
0x56: {  	s0 =	simm.s32 @!p0 $0x2  }
0x57: {  	_ =	swait.ge @!p0 [sflag:s0], s1  }
0x58: {  	s1 =	ssub.s32 @!p0 $0x0, s1;
	[sflag:s0] =	ssyncset.done @!p0 $0x0  }
0x59: {  	[sflag:s0] =	ssyncadd.s32 @!p0 s1  }
0x5a: {  	[bflag:$0x3] =	sbarrier.arrive $0xFFFF  }
0x5b: {  	_ =	shalt  }

</sc_bundles>
